<compile_context>
chip_gen: v7x
topology: tpu7x:2x2x1
jax: 0.10.2.dev20260603
libtpu: 0.0.44.dev20260713+nightly
codegen_flags: <defaults>
</compile_context>

<pallas_src>
import jax
import jax.numpy as jnp
from jax import lax
from jax.experimental import pallas as pl
from jax.experimental.pallas import tpu as pltpu
from jax.experimental.pallas import tpu_sc as plsc

B, S, H = 4, 2048, 768
NC, NS = 2, 16
NW = NC * NS
PPW = S // NW
EPS = 1e-12

BLK = 1024
SBLK = S // BLK


def _sc_gather_body(ids_hbm, word_hbm, out_hbm,
                    idsbuf, buf0, buf1, semg0, semg1, semo0, semo1):
    wid = lax.axis_index("s") * NC + lax.axis_index("c")
    p0 = wid * PPW
    bufs = (buf0, buf1)
    semgs = (semg0, semg1)
    semos = (semo0, semo1)

    def stage(b, slot):
        pltpu.sync_copy(ids_hbm.at[b, pl.ds(p0, PPW)], idsbuf.at[slot])

    def gather(slot):
        return pltpu.async_copy(word_hbm.at[idsbuf.at[slot]],
                                bufs[slot], semgs[slot])

    stage(0, 0)
    gathers = [gather(0), None]
    outs = [None, None]
    for b in range(B):
        buf = b & 1
        nbuf = 1 - buf
        if b + 1 < B:
            stage(b + 1, nbuf)
            if outs[nbuf] is not None:
                outs[nbuf].wait()
            gathers[nbuf] = gather(nbuf)
        gathers[buf].wait()
        outs[buf] = pltpu.async_copy(
            bufs[buf], out_hbm.at[b, pl.ds(p0, PPW)], semos[buf])
    for slot in range(2):
        if outs[slot] is not None:
            outs[slot].wait()


def _tc_ln_body(g_ref, pos_ref, tid_ref, t_ref, gam_ref, bet_ref, o_ref):
    x = g_ref[...]
    tid = tid_ref[...]
    x = x + pos_ref[...] + jnp.where(tid == 0, t_ref[0:1, :], t_ref[1:2, :])
    mean = jnp.mean(x, axis=-1, keepdims=True)
    xc = x - mean
    var = jnp.mean(xc * xc, axis=-1, keepdims=True)
    o_ref[...] = xc * lax.rsqrt(var + EPS) * gam_ref[...] + bet_ref[...]


def kernel(input_ids, token_type_ids, word_emb, pos_emb, type_emb, gamma, beta):
    mesh = plsc.VectorSubcoreMesh(core_axis_name="c", subcore_axis_name="s",
                                  num_cores=NC, num_subcores=NS)
    sc_gather = pl.kernel(
        _sc_gather_body,
        out_type=jax.ShapeDtypeStruct((B, S, H), jnp.float32),
        mesh=mesh,
        compiler_params=pltpu.CompilerParams(needs_layout_passes=False),
        scratch_types=[
            pltpu.VMEM((2, PPW), jnp.int32),
            pltpu.VMEM((PPW, H), jnp.float32),
            pltpu.VMEM((PPW, H), jnp.float32),
            pltpu.SemaphoreType.DMA,
            pltpu.SemaphoreType.DMA,
            pltpu.SemaphoreType.DMA,
            pltpu.SemaphoreType.DMA,
        ],
    )
    gathered = sc_gather(input_ids, word_emb)

    ln = pl.pallas_call(
        _tc_ln_body,
        grid=(SBLK, B),
        in_specs=[
            pl.BlockSpec((BLK, H), lambda i, j: (j * SBLK + i, 0)),
            pl.BlockSpec((BLK, H), lambda i, j: (i, 0)),
            pl.BlockSpec((BLK, 1), lambda i, j: (j * SBLK + i, 0)),
            pl.BlockSpec((2, H), lambda i, j: (0, 0)),
            pl.BlockSpec((1, H), lambda i, j: (0, 0)),
            pl.BlockSpec((1, H), lambda i, j: (0, 0)),
        ],
        out_specs=pl.BlockSpec((BLK, H), lambda i, j: (j * SBLK + i, 0)),
        out_shape=jax.ShapeDtypeStruct((B * S, H), jnp.float32),
    )
    out = ln(gathered.reshape(B * S, H), pos_emb,
             token_type_ids.reshape(B * S, 1), type_emb,
             gamma.reshape(1, H), beta.reshape(1, H))
    return out.reshape(B, S, H)

# --- scband reference (transcript-rebuilt; emitter-appended) ---
"""Pipeline reference for scband-bert-embeddings-979252544302 (READ-ONLY COPY).

The authoritative reference and input builder live on the scoring server;
editing this copy changes nothing except your own understanding.
"""

import jax, jax.numpy as jnp
import numpy as np

VOCAB = 100000
HIDDEN = 768
MAX_POS = 2048
TYPE_VOCAB = 2
B, S = 4, 2048
EPS = 1e-12


def setup_inputs(seed: int = 0) -> dict:
    key = jax.random.key(seed)
    k1, k2, k3, k4, k5 = jax.random.split(key, 5)
    input_ids = jax.random.randint(k1, (B, S), 0, VOCAB, dtype=jnp.int64 if jax.config.read('jax_enable_x64') else jnp.int32).astype(jnp.int32)
    token_type_ids = jax.random.randint(k2, (B, S), 0, TYPE_VOCAB).astype(jnp.int32)
    word_emb = jax.random.normal(k3, (VOCAB, HIDDEN), dtype=jnp.float32) * 0.02
    pos_emb = jax.random.normal(k4, (MAX_POS, HIDDEN), dtype=jnp.float32) * 0.02
    type_emb = jax.random.normal(k5, (TYPE_VOCAB, HIDDEN), dtype=jnp.float32) * 0.02
    gamma = jnp.ones((HIDDEN,), dtype=jnp.float32)
    beta = jnp.zeros((HIDDEN,), dtype=jnp.float32)
    return {"input_ids": input_ids, "token_type_ids": token_type_ids,
            "word_emb": word_emb, "pos_emb": pos_emb, "type_emb": type_emb,
            "gamma": gamma, "beta": beta}


def _layernorm(x, gamma, beta):
    mean = jnp.mean(x, axis=-1, keepdims=True)
    var = jnp.mean(jnp.square(x - mean), axis=-1, keepdims=True)
    return (x - mean) / jnp.sqrt(var + EPS) * gamma + beta


def reference(input_ids, token_type_ids, word_emb, pos_emb, type_emb, gamma, beta):
    seq_length = input_ids.shape[1]
    position_ids = jnp.arange(seq_length, dtype=jnp.int32)[None, :]  # [1, S]
    words_embeddings = jnp.take(word_emb, input_ids, axis=0)          # [B, S, H]
    position_embeddings = jnp.take(pos_emb, position_ids, axis=0)     # [1, S, H]
    token_type_embeddings = jnp.take(type_emb, token_type_ids, axis=0)  # [B, S, H]
    embeddings = words_embeddings + position_embeddings + token_type_embeddings
    embeddings = _layernorm(embeddings, gamma, beta)
    # dropout is identity at inference
    return embeddings

if __name__ == "__main__":
    import jax
    _d = setup_inputs()
    print(jax.jit(kernel)(*tuple(_d.values())))

</pallas_src>

<mosaic_0001>
#map = affine_map<(d0, d1) -> (0, 0)>
#map1 = affine_map<(d0, d1) -> (0, 0, 0)>
module attributes {stable_mosaic.version = 14 : i64} {
  func.func @_sc_gather_body(%arg0: i32, %arg1: i32, %arg2: memref<4x2048xi32, #tpu.memory_space<hbm>>, %arg3: memref<100000x768xf32, #tpu.memory_space<hbm>>, %arg4: memref<4x2048x768xf32, #tpu.memory_space<hbm>>, %arg5: memref<2x64xi32, #tpu.memory_space<vmem>>, %arg6: memref<64x768xf32, #tpu.memory_space<vmem>>, %arg7: memref<64x768xf32, #tpu.memory_space<vmem>>, %arg8: memref<!tpu.dma_semaphore, #tpu.memory_space<semaphore_mem>>, %arg9: memref<!tpu.dma_semaphore, #tpu.memory_space<semaphore_mem>>, %arg10: memref<!tpu.dma_semaphore, #tpu.memory_space<semaphore_mem>>, %arg11: memref<!tpu.dma_semaphore, #tpu.memory_space<semaphore_mem>>) attributes {dimension_semantics = [#tpu.dimension_semantics<core_parallel>, #tpu.dimension_semantics<subcore_parallel>], iteration_bounds = array<i64: 2, 16>, scalar_prefetch = 0 : i64, scratch_operands = 7 : i64, tpu.core_type = #tpu.core_type<sc_vector_subcore>, window_params = [{transform_indices = #map}, {transform_indices = #map}, {transform_indices = #map1}]} {
    %mul3A = arith.constant 2 : i32
    %mul3A_0 = arith.muli %arg1, %mul3A : i32
    %add3A = arith.addi %mul3A_0, %arg0 : i32
    %mul3A_1 = arith.constant 64 : i32
    %mul3A_2 = arith.muli %add3A, %mul3A_1 : i32
    %run_scoped3A = arith.constant 0 : i32
    %run_scoped3A_3 = arith.constant 0 : i32
    "tpu.region"() ({
      %run_scoped3A_120 = tpu.sem_alloc : memref<!tpu.dma_semaphore, #tpu.memory_space<semaphore_mem>>
      %dma_start3A_121 = arith.constant 0 : i32
      %dma_start3A_122 = tpu.memref_slice %arg5[%run_scoped3A_3, %dma_start3A_121] : memref<2x64xi32, #tpu.memory_space<vmem>> -> memref<1x64xi32, #tpu.memory_space<vmem>>
      %dma_start3A_123 = tpu.memref_squeeze %dma_start3A_122 : memref<1x64xi32, #tpu.memory_space<vmem>> -> memref<64xi32, #tpu.memory_space<vmem>>
      %dma_start3A_124 = tpu.memref_slice %arg2[%run_scoped3A, %mul3A_2] : memref<4x2048xi32, #tpu.memory_space<hbm>> -> memref<1x64xi32, #tpu.memory_space<hbm>>
      %dma_start3A_125 = tpu.memref_squeeze %dma_start3A_124 : memref<1x64xi32, #tpu.memory_space<hbm>> -> memref<64xi32, #tpu.memory_space<hbm>>
      %dma_start3A_126 = arith.constant 0 : i32
      %dma_start3A_127 = tpu.memref_slice %arg5[%run_scoped3A_3, %dma_start3A_126] : memref<2x64xi32, #tpu.memory_space<vmem>> -> memref<1x64xi32, #tpu.memory_space<vmem>>
      %dma_start3A_128 = tpu.memref_squeeze %dma_start3A_127 : memref<1x64xi32, #tpu.memory_space<vmem>> -> memref<64xi32, #tpu.memory_space<vmem>>
      %dma_start3A_129 = tpu.memref_slice %arg2[%run_scoped3A, %mul3A_2] : memref<4x2048xi32, #tpu.memory_space<hbm>> -> memref<1x64xi32, #tpu.memory_space<hbm>>
      %dma_start3A_130 = tpu.memref_squeeze %dma_start3A_129 : memref<1x64xi32, #tpu.memory_space<hbm>> -> memref<64xi32, #tpu.memory_space<hbm>>
      tpu.enqueue_dma source(%dma_start3A_130 : memref<64xi32, #tpu.memory_space<hbm>>) target(%dma_start3A_128 : memref<64xi32, #tpu.memory_space<vmem>>) target_semaphore(%run_scoped3A_120 : memref<!tpu.dma_semaphore, #tpu.memory_space<semaphore_mem>>)
      %dma_wait3A_131 = arith.constant 0 : i32
      %dma_wait3A_132 = tpu.memref_slice %arg5[%run_scoped3A_3, %dma_wait3A_131] : memref<2x64xi32, #tpu.memory_space<vmem>> -> memref<1x64xi32, #tpu.memory_space<vmem>>
      %dma_wait3A_133 = tpu.memref_squeeze %dma_wait3A_132 : memref<1x64xi32, #tpu.memory_space<vmem>> -> memref<64xi32, #tpu.memory_space<vmem>>
      %dma_wait3A_134 = tpu.memref_slice %arg2[%run_scoped3A, %mul3A_2] : memref<4x2048xi32, #tpu.memory_space<hbm>> -> memref<1x64xi32, #tpu.memory_space<hbm>>
      %dma_wait3A_135 = tpu.memref_squeeze %dma_wait3A_134 : memref<1x64xi32, #tpu.memory_space<hbm>> -> memref<64xi32, #tpu.memory_space<hbm>>
      %dma_wait3A_136 = arith.constant 0 : i32
      %dma_wait3A_137 = tpu.memref_slice %arg5[%run_scoped3A_3, %dma_wait3A_136] : memref<2x64xi32, #tpu.memory_space<vmem>> -> memref<1x64xi32, #tpu.memory_space<vmem>>
      %dma_wait3A_138 = tpu.memref_squeeze %dma_wait3A_137 : memref<1x64xi32, #tpu.memory_space<vmem>> -> memref<64xi32, #tpu.memory_space<vmem>>
      %dma_wait3A_139 = tpu.memref_slice %arg2[%run_scoped3A, %mul3A_2] : memref<4x2048xi32, #tpu.memory_space<hbm>> -> memref<1x64xi32, #tpu.memory_space<hbm>>
      %dma_wait3A_140 = tpu.memref_squeeze %dma_wait3A_139 : memref<1x64xi32, #tpu.memory_space<hbm>> -> memref<64xi32, #tpu.memory_space<hbm>>
      tpu.wait_dma2 semaphore(%run_scoped3A_120 : memref<!tpu.dma_semaphore, #tpu.memory_space<semaphore_mem>>) src(%dma_wait3A_140 : memref<64xi32, #tpu.memory_space<hbm>>) dst(%dma_wait3A_138 : memref<64xi32, #tpu.memory_space<vmem>>)
      tpu.yield
    }) : () -> ()
    %dma_start3A = arith.constant 0 : i32
    %dma_start3A_4 = arith.constant 0 : i32
    %dma_start3A_5 = tpu.memref_slice %arg5[%dma_start3A, %dma_start3A_4] : memref<2x64xi32, #tpu.memory_space<vmem>> -> memref<1x64xi32, #tpu.memory_space<vmem>>
    %dma_start3A_6 = tpu.memref_squeeze %dma_start3A_5 : memref<1x64xi32, #tpu.memory_space<vmem>> -> memref<64xi32, #tpu.memory_space<vmem>>
    %dma_start3A_7 = arith.constant 0 : i32
    %dma_start3A_8 = arith.constant 0 : i32
    %dma_start3A_9 = tpu.memref_slice %arg3[%dma_start3A_7, %dma_start3A_8] : memref<100000x768xf32, #tpu.memory_space<hbm>> -> memref<100000x768xf32, #tpu.memory_space<hbm>>
    tpu.enqueue_indirect_dma source(%dma_start3A_9 : memref<100000x768xf32, #tpu.memory_space<hbm>>) target(%arg6 : memref<64x768xf32, #tpu.memory_space<vmem>>) offsets(%dma_start3A_6 : memref<64xi32, #tpu.memory_space<vmem>>) semaphore(%arg8 : memref<!tpu.dma_semaphore, #tpu.memory_space<semaphore_mem>>)
    %run_scoped3A_10 = arith.constant 1 : i32
    %run_scoped3A_11 = arith.constant 1 : i32
    "tpu.region"() ({
      %run_scoped3A_120 = tpu.sem_alloc : memref<!tpu.dma_semaphore, #tpu.memory_space<semaphore_mem>>
      %dma_start3A_121 = arith.constant 0 : i32
      %dma_start3A_122 = tpu.memref_slice %arg5[%run_scoped3A_11, %dma_start3A_121] : memref<2x64xi32, #tpu.memory_space<vmem>> -> memref<1x64xi32, #tpu.memory_space<vmem>>
      %dma_start3A_123 = tpu.memref_squeeze %dma_start3A_122 : memref<1x64xi32, #tpu.memory_space<vmem>> -> memref<64xi32, #tpu.memory_space<vmem>>
      %dma_start3A_124 = tpu.memref_slice %arg2[%run_scoped3A_10, %mul3A_2] : memref<4x2048xi32, #tpu.memory_space<hbm>> -> memref<1x64xi32, #tpu.memory_space<hbm>>
      %dma_start3A_125 = tpu.memref_squeeze %dma_start3A_124 : memref<1x64xi32, #tpu.memory_space<hbm>> -> memref<64xi32, #tpu.memory_space<hbm>>
      %dma_start3A_126 = arith.constant 0 : i32
      %dma_start3A_127 = tpu.memref_slice %arg5[%run_scoped3A_11, %dma_start3A_126] : memref<2x64xi32, #tpu.memory_space<vmem>> -> memref<1x64xi32, #tpu.memory_space<vmem>>
      %dma_start3A_128 = tpu.memref_squeeze %dma_start3A_127 : memref<1x64xi32, #tpu.memory_space<vmem>> -> memref<64xi32, #tpu.memory_space<vmem>>
      %dma_start3A_129 = tpu.memref_slice %arg2[%run_scoped3A_10, %mul3A_2] : memref<4x2048xi32, #tpu.memory_space<hbm>> -> memref<1x64xi32, #tpu.memory_space<hbm>>
      %dma_start3A_130 = tpu.memref_squeeze %dma_start3A_129 : memref<1x64xi32, #tpu.memory_space<hbm>> -> memref<64xi32, #tpu.memory_space<hbm>>
      tpu.enqueue_dma source(%dma_start3A_130 : memref<64xi32, #tpu.memory_space<hbm>>) target(%dma_start3A_128 : memref<64xi32, #tpu.memory_space<vmem>>) target_semaphore(%run_scoped3A_120 : memref<!tpu.dma_semaphore, #tpu.memory_space<semaphore_mem>>)
      %dma_wait3A_131 = arith.constant 0 : i32
      %dma_wait3A_132 = tpu.memref_slice %arg5[%run_scoped3A_11, %dma_wait3A_131] : memref<2x64xi32, #tpu.memory_space<vmem>> -> memref<1x64xi32, #tpu.memory_space<vmem>>
      %dma_wait3A_133 = tpu.memref_squeeze %dma_wait3A_132 : memref<1x64xi32, #tpu.memory_space<vmem>> -> memref<64xi32, #tpu.memory_space<vmem>>
      %dma_wait3A_134 = tpu.memref_slice %arg2[%run_scoped3A_10, %mul3A_2] : memref<4x2048xi32, #tpu.memory_space<hbm>> -> memref<1x64xi32, #tpu.memory_space<hbm>>
      %dma_wait3A_135 = tpu.memref_squeeze %dma_wait3A_134 : memref<1x64xi32, #tpu.memory_space<hbm>> -> memref<64xi32, #tpu.memory_space<hbm>>
      %dma_wait3A_136 = arith.constant 0 : i32
      %dma_wait3A_137 = tpu.memref_slice %arg5[%run_scoped3A_11, %dma_wait3A_136] : memref<2x64xi32, #tpu.memory_space<vmem>> -> memref<1x64xi32, #tpu.memory_space<vmem>>
      %dma_wait3A_138 = tpu.memref_squeeze %dma_wait3A_137 : memref<1x64xi32, #tpu.memory_space<vmem>> -> memref<64xi32, #tpu.memory_space<vmem>>
      %dma_wait3A_139 = tpu.memref_slice %arg2[%run_scoped3A_10, %mul3A_2] : memref<4x2048xi32, #tpu.memory_space<hbm>> -> memref<1x64xi32, #tpu.memory_space<hbm>>
      %dma_wait3A_140 = tpu.memref_squeeze %dma_wait3A_139 : memref<1x64xi32, #tpu.memory_space<hbm>> -> memref<64xi32, #tpu.memory_space<hbm>>
      tpu.wait_dma2 semaphore(%run_scoped3A_120 : memref<!tpu.dma_semaphore, #tpu.memory_space<semaphore_mem>>) src(%dma_wait3A_140 : memref<64xi32, #tpu.memory_space<hbm>>) dst(%dma_wait3A_138 : memref<64xi32, #tpu.memory_space<vmem>>)
      tpu.yield
    }) : () -> ()
    %dma_start3A_12 = arith.constant 1 : i32
    %dma_start3A_13 = arith.constant 0 : i32
    %dma_start3A_14 = tpu.memref_slice %arg5[%dma_start3A_12, %dma_start3A_13] : memref<2x64xi32, #tpu.memory_space<vmem>> -> memref<1x64xi32, #tpu.memory_space<vmem>>
    %dma_start3A_15 = tpu.memref_squeeze %dma_start3A_14 : memref<1x64xi32, #tpu.memory_space<vmem>> -> memref<64xi32, #tpu.memory_space<vmem>>
    %dma_start3A_16 = arith.constant 0 : i32
    %dma_start3A_17 = arith.constant 0 : i32
    %dma_start3A_18 = tpu.memref_slice %arg3[%dma_start3A_16, %dma_start3A_17] : memref<100000x768xf32, #tpu.memory_space<hbm>> -> memref<100000x768xf32, #tpu.memory_space<hbm>>
    tpu.enqueue_indirect_dma source(%dma_start3A_18 : memref<100000x768xf32, #tpu.memory_space<hbm>>) target(%arg7 : memref<64x768xf32, #tpu.memory_space<vmem>>) offsets(%dma_start3A_15 : memref<64xi32, #tpu.memory_space<vmem>>) semaphore(%arg9 : memref<!tpu.dma_semaphore, #tpu.memory_space<semaphore_mem>>)
    %dma_wait3A = arith.constant 0 : i32
    %dma_wait3A_19 = arith.constant 0 : i32
    %dma_wait3A_20 = tpu.memref_slice %arg5[%dma_wait3A, %dma_wait3A_19] : memref<2x64xi32, #tpu.memory_space<vmem>> -> memref<1x64xi32, #tpu.memory_space<vmem>>
    %dma_wait3A_21 = tpu.memref_squeeze %dma_wait3A_20 : memref<1x64xi32, #tpu.memory_space<vmem>> -> memref<64xi32, #tpu.memory_space<vmem>>
    %dma_wait3A_22 = arith.constant 0 : i32
    %dma_wait3A_23 = arith.constant 0 : i32
    %dma_wait3A_24 = tpu.memref_slice %arg3[%dma_wait3A_22, %dma_wait3A_23] : memref<100000x768xf32, #tpu.memory_space<hbm>> -> memref<100000x768xf32, #tpu.memory_space<hbm>>
    tpu.wait_indirect_dma semaphore(%arg8 : memref<!tpu.dma_semaphore, #tpu.memory_space<semaphore_mem>>) src(%dma_wait3A_24 : memref<100000x768xf32, #tpu.memory_space<hbm>>) dst(%arg6 : memref<64x768xf32, #tpu.memory_space<vmem>>)
    %dma_start3A_25 = arith.constant 0 : i32
    %dma_start3A_26 = arith.constant 0 : i32
    %dma_start3A_27 = tpu.memref_slice %arg4[%dma_start3A_25, %mul3A_2, %dma_start3A_26] : memref<4x2048x768xf32, #tpu.memory_space<hbm>> -> memref<1x64x768xf32, #tpu.memory_space<hbm>>
    %dma_start3A_28 = tpu.memref_squeeze %dma_start3A_27 : memref<1x64x768xf32, #tpu.memory_space<hbm>> -> memref<64x768xf32, #tpu.memory_space<hbm>>
    %dma_start3A_29 = arith.constant 0 : i32
    %dma_start3A_30 = tpu.memref_slice %arg4[%dma_start3A_25, %mul3A_2, %dma_start3A_29] : memref<4x2048x768xf32, #tpu.memory_space<hbm>> -> memref<1x64x768xf32, #tpu.memory_space<hbm>>
    %dma_start3A_31 = tpu.memref_squeeze %dma_start3A_30 : memref<1x64x768xf32, #tpu.memory_space<hbm>> -> memref<64x768xf32, #tpu.memory_space<hbm>>
    tpu.enqueue_dma source(%arg6 : memref<64x768xf32, #tpu.memory_space<vmem>>) target(%dma_start3A_31 : memref<64x768xf32, #tpu.memory_space<hbm>>) target_semaphore(%arg10 : memref<!tpu.dma_semaphore, #tpu.memory_space<semaphore_mem>>)
    %run_scoped3A_32 = arith.constant 2 : i32
    %run_scoped3A_33 = arith.constant 0 : i32
    "tpu.region"() ({
      %run_scoped3A_120 = tpu.sem_alloc : memref<!tpu.dma_semaphore, #tpu.memory_space<semaphore_mem>>
      %dma_start3A_121 = arith.constant 0 : i32
      %dma_start3A_122 = tpu.memref_slice %arg5[%run_scoped3A_33, %dma_start3A_121] : memref<2x64xi32, #tpu.memory_space<vmem>> -> memref<1x64xi32, #tpu.memory_space<vmem>>
      %dma_start3A_123 = tpu.memref_squeeze %dma_start3A_122 : memref<1x64xi32, #tpu.memory_space<vmem>> -> memref<64xi32, #tpu.memory_space<vmem>>
      %dma_start3A_124 = tpu.memref_slice %arg2[%run_scoped3A_32, %mul3A_2] : memref<4x2048xi32, #tpu.memory_space<hbm>> -> memref<1x64xi32, #tpu.memory_space<hbm>>
      %dma_start3A_125 = tpu.memref_squeeze %dma_start3A_124 : memref<1x64xi32, #tpu.memory_space<hbm>> -> memref<64xi32, #tpu.memory_space<hbm>>
      %dma_start3A_126 = arith.constant 0 : i32
      %dma_start3A_127 = tpu.memref_slice %arg5[%run_scoped3A_33, %dma_start3A_126] : memref<2x64xi32, #tpu.memory_space<vmem>> -> memref<1x64xi32, #tpu.memory_space<vmem>>
      %dma_start3A_128 = tpu.memref_squeeze %dma_start3A_127 : memref<1x64xi32, #tpu.memory_space<vmem>> -> memref<64xi32, #tpu.memory_space<vmem>>
      %dma_start3A_129 = tpu.memref_slice %arg2[%run_scoped3A_32, %mul3A_2] : memref<4x2048xi32, #tpu.memory_space<hbm>> -> memref<1x64xi32, #tpu.memory_space<hbm>>
      %dma_start3A_130 = tpu.memref_squeeze %dma_start3A_129 : memref<1x64xi32, #tpu.memory_space<hbm>> -> memref<64xi32, #tpu.memory_space<hbm>>
      tpu.enqueue_dma source(%dma_start3A_130 : memref<64xi32, #tpu.memory_space<hbm>>) target(%dma_start3A_128 : memref<64xi32, #tpu.memory_space<vmem>>) target_semaphore(%run_scoped3A_120 : memref<!tpu.dma_semaphore, #tpu.memory_space<semaphore_mem>>)
      %dma_wait3A_131 = arith.constant 0 : i32
      %dma_wait3A_132 = tpu.memref_slice %arg5[%run_scoped3A_33, %dma_wait3A_131] : memref<2x64xi32, #tpu.memory_space<vmem>> -> memref<1x64xi32, #tpu.memory_space<vmem>>
      %dma_wait3A_133 = tpu.memref_squeeze %dma_wait3A_132 : memref<1x64xi32, #tpu.memory_space<vmem>> -> memref<64xi32, #tpu.memory_space<vmem>>
      %dma_wait3A_134 = tpu.memref_slice %arg2[%run_scoped3A_32, %mul3A_2] : memref<4x2048xi32, #tpu.memory_space<hbm>> -> memref<1x64xi32, #tpu.memory_space<hbm>>
      %dma_wait3A_135 = tpu.memref_squeeze %dma_wait3A_134 : memref<1x64xi32, #tpu.memory_space<hbm>> -> memref<64xi32, #tpu.memory_space<hbm>>
      %dma_wait3A_136 = arith.constant 0 : i32
      %dma_wait3A_137 = tpu.memref_slice %arg5[%run_scoped3A_33, %dma_wait3A_136] : memref<2x64xi32, #tpu.memory_space<vmem>> -> memref<1x64xi32, #tpu.memory_space<vmem>>
      %dma_wait3A_138 = tpu.memref_squeeze %dma_wait3A_137 : memref<1x64xi32, #tpu.memory_space<vmem>> -> memref<64xi32, #tpu.memory_space<vmem>>
      %dma_wait3A_139 = tpu.memref_slice %arg2[%run_scoped3A_32, %mul3A_2] : memref<4x2048xi32, #tpu.memory_space<hbm>> -> memref<1x64xi32, #tpu.memory_space<hbm>>
      %dma_wait3A_140 = tpu.memref_squeeze %dma_wait3A_139 : memref<1x64xi32, #tpu.memory_space<hbm>> -> memref<64xi32, #tpu.memory_space<hbm>>
      tpu.wait_dma2 semaphore(%run_scoped3A_120 : memref<!tpu.dma_semaphore, #tpu.memory_space<semaphore_mem>>) src(%dma_wait3A_140 : memref<64xi32, #tpu.memory_space<hbm>>) dst(%dma_wait3A_138 : memref<64xi32, #tpu.memory_space<vmem>>)
      tpu.yield
    }) : () -> ()
    %dma_wait3A_34 = arith.constant 0 : i32
    %dma_wait3A_35 = arith.constant 0 : i32
    %dma_wait3A_36 = tpu.memref_slice %arg4[%dma_wait3A_34, %mul3A_2, %dma_wait3A_35] : memref<4x2048x768xf32, #tpu.memory_space<hbm>> -> memref<1x64x768xf32, #tpu.memory_space<hbm>>
    %dma_wait3A_37 = tpu.memref_squeeze %dma_wait3A_36 : memref<1x64x768xf32, #tpu.memory_space<hbm>> -> memref<64x768xf32, #tpu.memory_space<hbm>>
    %dma_wait3A_38 = arith.constant 0 : i32
    %dma_wait3A_39 = tpu.memref_slice %arg4[%dma_wait3A_34, %mul3A_2, %dma_wait3A_38] : memref<4x2048x768xf32, #tpu.memory_space<hbm>> -> memref<1x64x768xf32, #tpu.memory_space<hbm>>
    %dma_wait3A_40 = tpu.memref_squeeze %dma_wait3A_39 : memref<1x64x768xf32, #tpu.memory_space<hbm>> -> memref<64x768xf32, #tpu.memory_space<hbm>>
    tpu.wait_dma2 semaphore(%arg10 : memref<!tpu.dma_semaphore, #tpu.memory_space<semaphore_mem>>) src(%arg6 : memref<64x768xf32, #tpu.memory_space<vmem>>) dst(%dma_wait3A_40 : memref<64x768xf32, #tpu.memory_space<hbm>>)
    %dma_start3A_41 = arith.constant 0 : i32
    %dma_start3A_42 = arith.constant 0 : i32
    %dma_start3A_43 = tpu.memref_slice %arg5[%dma_start3A_41, %dma_start3A_42] : memref<2x64xi32, #tpu.memory_space<vmem>> -> memref<1x64xi32, #tpu.memory_space<vmem>>
    %dma_start3A_44 = tpu.memref_squeeze %dma_start3A_43 : memref<1x64xi32, #tpu.memory_space<vmem>> -> memref<64xi32, #tpu.memory_space<vmem>>
    %dma_start3A_45 = arith.constant 0 : i32
    %dma_start3A_46 = arith.constant 0 : i32
    %dma_start3A_47 = tpu.memref_slice %arg3[%dma_start3A_45, %dma_start3A_46] : memref<100000x768xf32, #tpu.memory_space<hbm>> -> memref<100000x768xf32, #tpu.memory_space<hbm>>
    tpu.enqueue_indirect_dma source(%dma_start3A_47 : memref<100000x768xf32, #tpu.memory_space<hbm>>) target(%arg6 : memref<64x768xf32, #tpu.memory_space<vmem>>) offsets(%dma_start3A_44 : memref<64xi32, #tpu.memory_space<vmem>>) semaphore(%arg8 : memref<!tpu.dma_semaphore, #tpu.memory_space<semaphore_mem>>)
    %dma_wait3A_48 = arith.constant 1 : i32
    %dma_wait3A_49 = arith.constant 0 : i32
    %dma_wait3A_50 = tpu.memref_slice %arg5[%dma_wait3A_48, %dma_wait3A_49] : memref<2x64xi32, #tpu.memory_space<vmem>> -> memref<1x64xi32, #tpu.memory_space<vmem>>
    %dma_wait3A_51 = tpu.memref_squeeze %dma_wait3A_50 : memref<1x64xi32, #tpu.memory_space<vmem>> -> memref<64xi32, #tpu.memory_space<vmem>>
    %dma_wait3A_52 = arith.constant 0 : i32
    %dma_wait3A_53 = arith.constant 0 : i32
    %dma_wait3A_54 = tpu.memref_slice %arg3[%dma_wait3A_52, %dma_wait3A_53] : memref<100000x768xf32, #tpu.memory_space<hbm>> -> memref<100000x768xf32, #tpu.memory_space<hbm>>
    tpu.wait_indirect_dma semaphore(%arg9 : memref<!tpu.dma_semaphore, #tpu.memory_space<semaphore_mem>>) src(%dma_wait3A_54 : memref<100000x768xf32, #tpu.memory_space<hbm>>) dst(%arg7 : memref<64x768xf32, #tpu.memory_space<vmem>>)
    %dma_start3A_55 = arith.constant 1 : i32
    %dma_start3A_56 = arith.constant 0 : i32
    %dma_start3A_57 = tpu.memref_slice %arg4[%dma_start3A_55, %mul3A_2, %dma_start3A_56] : memref<4x2048x768xf32, #tpu.memory_space<hbm>> -> memref<1x64x768xf32, #tpu.memory_space<hbm>>
    %dma_start3A_58 = tpu.memref_squeeze %dma_start3A_57 : memref<1x64x768xf32, #tpu.memory_space<hbm>> -> memref<64x768xf32, #tpu.memory_space<hbm>>
    %dma_start3A_59 = arith.constant 0 : i32
    %dma_start3A_60 = tpu.memref_slice %arg4[%dma_start3A_55, %mul3A_2, %dma_start3A_59] : memref<4x2048x768xf32, #tpu.memory_space<hbm>> -> memref<1x64x768xf32, #tpu.memory_space<hbm>>
    %dma_start3A_61 = tpu.memref_squeeze %dma_start3A_60 : memref<1x64x768xf32, #tpu.memory_space<hbm>> -> memref<64x768xf32, #tpu.memory_space<hbm>>
    tpu.enqueue_dma source(%arg7 : memref<64x768xf32, #tpu.memory_space<vmem>>) target(%dma_start3A_61 : memref<64x768xf32, #tpu.memory_space<hbm>>) target_semaphore(%arg11 : memref<!tpu.dma_semaphore, #tpu.memory_space<semaphore_mem>>)
    %run_scoped3A_62 = arith.constant 3 : i32
    %run_scoped3A_63 = arith.constant 1 : i32
    "tpu.region"() ({
      %run_scoped3A_120 = tpu.sem_alloc : memref<!tpu.dma_semaphore, #tpu.memory_space<semaphore_mem>>
      %dma_start3A_121 = arith.constant 0 : i32
      %dma_start3A_122 = tpu.memref_slice %arg5[%run_scoped3A_63, %dma_start3A_121] : memref<2x64xi32, #tpu.memory_space<vmem>> -> memref<1x64xi32, #tpu.memory_space<vmem>>
      %dma_start3A_123 = tpu.memref_squeeze %dma_start3A_122 : memref<1x64xi32, #tpu.memory_space<vmem>> -> memref<64xi32, #tpu.memory_space<vmem>>
      %dma_start3A_124 = tpu.memref_slice %arg2[%run_scoped3A_62, %mul3A_2] : memref<4x2048xi32, #tpu.memory_space<hbm>> -> memref<1x64xi32, #tpu.memory_space<hbm>>
      %dma_start3A_125 = tpu.memref_squeeze %dma_start3A_124 : memref<1x64xi32, #tpu.memory_space<hbm>> -> memref<64xi32, #tpu.memory_space<hbm>>
      %dma_start3A_126 = arith.constant 0 : i32
      %dma_start3A_127 = tpu.memref_slice %arg5[%run_scoped3A_63, %dma_start3A_126] : memref<2x64xi32, #tpu.memory_space<vmem>> -> memref<1x64xi32, #tpu.memory_space<vmem>>
      %dma_start3A_128 = tpu.memref_squeeze %dma_start3A_127 : memref<1x64xi32, #tpu.memory_space<vmem>> -> memref<64xi32, #tpu.memory_space<vmem>>
      %dma_start3A_129 = tpu.memref_slice %arg2[%run_scoped3A_62, %mul3A_2] : memref<4x2048xi32, #tpu.memory_space<hbm>> -> memref<1x64xi32, #tpu.memory_space<hbm>>
      %dma_start3A_130 = tpu.memref_squeeze %dma_start3A_129 : memref<1x64xi32, #tpu.memory_space<hbm>> -> memref<64xi32, #tpu.memory_space<hbm>>
      tpu.enqueue_dma source(%dma_start3A_130 : memref<64xi32, #tpu.memory_space<hbm>>) target(%dma_start3A_128 : memref<64xi32, #tpu.memory_space<vmem>>) target_semaphore(%run_scoped3A_120 : memref<!tpu.dma_semaphore, #tpu.memory_space<semaphore_mem>>)
      %dma_wait3A_131 = arith.constant 0 : i32
      %dma_wait3A_132 = tpu.memref_slice %arg5[%run_scoped3A_63, %dma_wait3A_131] : memref<2x64xi32, #tpu.memory_space<vmem>> -> memref<1x64xi32, #tpu.memory_space<vmem>>
      %dma_wait3A_133 = tpu.memref_squeeze %dma_wait3A_132 : memref<1x64xi32, #tpu.memory_space<vmem>> -> memref<64xi32, #tpu.memory_space<vmem>>
      %dma_wait3A_134 = tpu.memref_slice %arg2[%run_scoped3A_62, %mul3A_2] : memref<4x2048xi32, #tpu.memory_space<hbm>> -> memref<1x64xi32, #tpu.memory_space<hbm>>
      %dma_wait3A_135 = tpu.memref_squeeze %dma_wait3A_134 : memref<1x64xi32, #tpu.memory_space<hbm>> -> memref<64xi32, #tpu.memory_space<hbm>>
      %dma_wait3A_136 = arith.constant 0 : i32
      %dma_wait3A_137 = tpu.memref_slice %arg5[%run_scoped3A_63, %dma_wait3A_136] : memref<2x64xi32, #tpu.memory_space<vmem>> -> memref<1x64xi32, #tpu.memory_space<vmem>>
      %dma_wait3A_138 = tpu.memref_squeeze %dma_wait3A_137 : memref<1x64xi32, #tpu.memory_space<vmem>> -> memref<64xi32, #tpu.memory_space<vmem>>
      %dma_wait3A_139 = tpu.memref_slice %arg2[%run_scoped3A_62, %mul3A_2] : memref<4x2048xi32, #tpu.memory_space<hbm>> -> memref<1x64xi32, #tpu.memory_space<hbm>>
      %dma_wait3A_140 = tpu.memref_squeeze %dma_wait3A_139 : memref<1x64xi32, #tpu.memory_space<hbm>> -> memref<64xi32, #tpu.memory_space<hbm>>
      tpu.wait_dma2 semaphore(%run_scoped3A_120 : memref<!tpu.dma_semaphore, #tpu.memory_space<semaphore_mem>>) src(%dma_wait3A_140 : memref<64xi32, #tpu.memory_space<hbm>>) dst(%dma_wait3A_138 : memref<64xi32, #tpu.memory_space<vmem>>)
      tpu.yield
    }) : () -> ()
    %dma_wait3A_64 = arith.constant 1 : i32
    %dma_wait3A_65 = arith.constant 0 : i32
    %dma_wait3A_66 = tpu.memref_slice %arg4[%dma_wait3A_64, %mul3A_2, %dma_wait3A_65] : memref<4x2048x768xf32, #tpu.memory_space<hbm>> -> memref<1x64x768xf32, #tpu.memory_space<hbm>>
    %dma_wait3A_67 = tpu.memref_squeeze %dma_wait3A_66 : memref<1x64x768xf32, #tpu.memory_space<hbm>> -> memref<64x768xf32, #tpu.memory_space<hbm>>
    %dma_wait3A_68 = arith.constant 0 : i32
    %dma_wait3A_69 = tpu.memref_slice %arg4[%dma_wait3A_64, %mul3A_2, %dma_wait3A_68] : memref<4x2048x768xf32, #tpu.memory_space<hbm>> -> memref<1x64x768xf32, #tpu.memory_space<hbm>>
    %dma_wait3A_70 = tpu.memref_squeeze %dma_wait3A_69 : memref<1x64x768xf32, #tpu.memory_space<hbm>> -> memref<64x768xf32, #tpu.memory_space<hbm>>
    tpu.wait_dma2 semaphore(%arg11 : memref<!tpu.dma_semaphore, #tpu.memory_space<semaphore_mem>>) src(%arg7 : memref<64x768xf32, #tpu.memory_space<vmem>>) dst(%dma_wait3A_70 : memref<64x768xf32, #tpu.memory_space<hbm>>)
    %dma_start3A_71 = arith.constant 1 : i32
    %dma_start3A_72 = arith.constant 0 : i32
    %dma_start3A_73 = tpu.memref_slice %arg5[%dma_start3A_71, %dma_start3A_72] : memref<2x64xi32, #tpu.memory_space<vmem>> -> memref<1x64xi32, #tpu.memory_space<vmem>>
    %dma_start3A_74 = tpu.memref_squeeze %dma_start3A_73 : memref<1x64xi32, #tpu.memory_space<vmem>> -> memref<64xi32, #tpu.memory_space<vmem>>
    %dma_start3A_75 = arith.constant 0 : i32
    %dma_start3A_76 = arith.constant 0 : i32
    %dma_start3A_77 = tpu.memref_slice %arg3[%dma_start3A_75, %dma_start3A_76] : memref<100000x768xf32, #tpu.memory_space<hbm>> -> memref<100000x768xf32, #tpu.memory_space<hbm>>
    tpu.enqueue_indirect_dma source(%dma_start3A_77 : memref<100000x768xf32, #tpu.memory_space<hbm>>) target(%arg7 : memref<64x768xf32, #tpu.memory_space<vmem>>) offsets(%dma_start3A_74 : memref<64xi32, #tpu.memory_space<vmem>>) semaphore(%arg9 : memref<!tpu.dma_semaphore, #tpu.memory_space<semaphore_mem>>)
    %dma_wait3A_78 = arith.constant 0 : i32
    %dma_wait3A_79 = arith.constant 0 : i32
    %dma_wait3A_80 = tpu.memref_slice %arg5[%dma_wait3A_78, %dma_wait3A_79] : memref<2x64xi32, #tpu.memory_space<vmem>> -> memref<1x64xi32, #tpu.memory_space<vmem>>
    %dma_wait3A_81 = tpu.memref_squeeze %dma_wait3A_80 : memref<1x64xi32, #tpu.memory_space<vmem>> -> memref<64xi32, #tpu.memory_space<vmem>>
    %dma_wait3A_82 = arith.constant 0 : i32
    %dma_wait3A_83 = arith.constant 0 : i32
    %dma_wait3A_84 = tpu.memref_slice %arg3[%dma_wait3A_82, %dma_wait3A_83] : memref<100000x768xf32, #tpu.memory_space<hbm>> -> memref<100000x768xf32, #tpu.memory_space<hbm>>
    tpu.wait_indirect_dma semaphore(%arg8 : memref<!tpu.dma_semaphore, #tpu.memory_space<semaphore_mem>>) src(%dma_wait3A_84 : memref<100000x768xf32, #tpu.memory_space<hbm>>) dst(%arg6 : memref<64x768xf32, #tpu.memory_space<vmem>>)
    %dma_start3A_85 = arith.constant 2 : i32
    %dma_start3A_86 = arith.constant 0 : i32
    %dma_start3A_87 = tpu.memref_slice %arg4[%dma_start3A_85, %mul3A_2, %dma_start3A_86] : memref<4x2048x768xf32, #tpu.memory_space<hbm>> -> memref<1x64x768xf32, #tpu.memory_space<hbm>>
    %dma_start3A_88 = tpu.memref_squeeze %dma_start3A_87 : memref<1x64x768xf32, #tpu.memory_space<hbm>> -> memref<64x768xf32, #tpu.memory_space<hbm>>
    %dma_start3A_89 = arith.constant 0 : i32
    %dma_start3A_90 = tpu.memref_slice %arg4[%dma_start3A_85, %mul3A_2, %dma_start3A_89] : memref<4x2048x768xf32, #tpu.memory_space<hbm>> -> memref<1x64x768xf32, #tpu.memory_space<hbm>>
    %dma_start3A_91 = tpu.memref_squeeze %dma_start3A_90 : memref<1x64x768xf32, #tpu.memory_space<hbm>> -> memref<64x768xf32, #tpu.memory_space<hbm>>
    tpu.enqueue_dma source(%arg6 : memref<64x768xf32, #tpu.memory_space<vmem>>) target(%dma_start3A_91 : memref<64x768xf32, #tpu.memory_space<hbm>>) target_semaphore(%arg10 : memref<!tpu.dma_semaphore, #tpu.memory_space<semaphore_mem>>)
    %dma_wait3A_92 = arith.constant 1 : i32
    %dma_wait3A_93 = arith.constant 0 : i32
    %dma_wait3A_94 = tpu.memref_slice %arg5[%dma_wait3A_92, %dma_wait3A_93] : memref<2x64xi32, #tpu.memory_space<vmem>> -> memref<1x64xi32, #tpu.memory_space<vmem>>
    %dma_wait3A_95 = tpu.memref_squeeze %dma_wait3A_94 : memref<1x64xi32, #tpu.memory_space<vmem>> -> memref<64xi32, #tpu.memory_space<vmem>>
    %dma_wait3A_96 = arith.constant 0 : i32
    %dma_wait3A_97 = arith.constant 0 : i32
    %dma_wait3A_98 = tpu.memref_slice %arg3[%dma_wait3A_96, %dma_wait3A_97] : memref<100000x768xf32, #tpu.memory_space<hbm>> -> memref<100000x768xf32, #tpu.memory_space<hbm>>
    tpu.wait_indirect_dma semaphore(%arg9 : memref<!tpu.dma_semaphore, #tpu.memory_space<semaphore_mem>>) src(%dma_wait3A_98 : memref<100000x768xf32, #tpu.memory_space<hbm>>) dst(%arg7 : memref<64x768xf32, #tpu.memory_space<vmem>>)
    %dma_start3A_99 = arith.constant 3 : i32
    %dma_start3A_100 = arith.constant 0 : i32
    %dma_start3A_101 = tpu.memref_slice %arg4[%dma_start3A_99, %mul3A_2, %dma_start3A_100] : memref<4x2048x768xf32, #tpu.memory_space<hbm>> -> memref<1x64x768xf32, #tpu.memory_space<hbm>>
    %dma_start3A_102 = tpu.memref_squeeze %dma_start3A_101 : memref<1x64x768xf32, #tpu.memory_space<hbm>> -> memref<64x768xf32, #tpu.memory_space<hbm>>
    %dma_start3A_103 = arith.constant 0 : i32
    %dma_start3A_104 = tpu.memref_slice %arg4[%dma_start3A_99, %mul3A_2, %dma_start3A_103] : memref<4x2048x768xf32, #tpu.memory_space<hbm>> -> memref<1x64x768xf32, #tpu.memory_space<hbm>>
    %dma_start3A_105 = tpu.memref_squeeze %dma_start3A_104 : memref<1x64x768xf32, #tpu.memory_space<hbm>> -> memref<64x768xf32, #tpu.memory_space<hbm>>
    tpu.enqueue_dma source(%arg7 : memref<64x768xf32, #tpu.memory_space<vmem>>) target(%dma_start3A_105 : memref<64x768xf32, #tpu.memory_space<hbm>>) target_semaphore(%arg11 : memref<!tpu.dma_semaphore, #tpu.memory_space<semaphore_mem>>)
    %dma_wait3A_106 = arith.constant 2 : i32
    %dma_wait3A_107 = arith.constant 0 : i32
    %dma_wait3A_108 = tpu.memref_slice %arg4[%dma_wait3A_106, %mul3A_2, %dma_wait3A_107] : memref<4x2048x768xf32, #tpu.memory_space<hbm>> -> memref<1x64x768xf32, #tpu.memory_space<hbm>>
    %dma_wait3A_109 = tpu.memref_squeeze %dma_wait3A_108 : memref<1x64x768xf32, #tpu.memory_space<hbm>> -> memref<64x768xf32, #tpu.memory_space<hbm>>
    %dma_wait3A_110 = arith.constant 0 : i32
    %dma_wait3A_111 = tpu.memref_slice %arg4[%dma_wait3A_106, %mul3A_2, %dma_wait3A_110] : memref<4x2048x768xf32, #tpu.memory_space<hbm>> -> memref<1x64x768xf32, #tpu.memory_space<hbm>>
    %dma_wait3A_112 = tpu.memref_squeeze %dma_wait3A_111 : memref<1x64x768xf32, #tpu.memory_space<hbm>> -> memref<64x768xf32, #tpu.memory_space<hbm>>
    tpu.wait_dma2 semaphore(%arg10 : memref<!tpu.dma_semaphore, #tpu.memory_space<semaphore_mem>>) src(%arg6 : memref<64x768xf32, #tpu.memory_space<vmem>>) dst(%dma_wait3A_112 : memref<64x768xf32, #tpu.memory_space<hbm>>)
    %dma_wait3A_113 = arith.constant 3 : i32
    %dma_wait3A_114 = arith.constant 0 : i32
    %dma_wait3A_115 = tpu.memref_slice %arg4[%dma_wait3A_113, %mul3A_2, %dma_wait3A_114] : memref<4x2048x768xf32, #tpu.memory_space<hbm>> -> memref<1x64x768xf32, #tpu.memory_space<hbm>>
    %dma_wait3A_116 = tpu.memref_squeeze %dma_wait3A_115 : memref<1x64x768xf32, #tpu.memory_space<hbm>> -> memref<64x768xf32, #tpu.memory_space<hbm>>
    %dma_wait3A_117 = arith.constant 0 : i32
    %dma_wait3A_118 = tpu.memref_slice %arg4[%dma_wait3A_113, %mul3A_2, %dma_wait3A_117] : memref<4x2048x768xf32, #tpu.memory_space<hbm>> -> memref<1x64x768xf32, #tpu.memory_space<hbm>>
    %dma_wait3A_119 = tpu.memref_squeeze %dma_wait3A_118 : memref<1x64x768xf32, #tpu.memory_space<hbm>> -> memref<64x768xf32, #tpu.memory_space<hbm>>
    tpu.wait_dma2 semaphore(%arg11 : memref<!tpu.dma_semaphore, #tpu.memory_space<semaphore_mem>>) src(%arg7 : memref<64x768xf32, #tpu.memory_space<vmem>>) dst(%dma_wait3A_119 : memref<64x768xf32, #tpu.memory_space<hbm>>)
    return
  }
}

module attributes {stable_mosaic.version = 14 : i64} {
  func.func @_tc_ln_body(%arg0: i32, %arg1: i32, %arg2: memref<1024x768xf32, #tpu.memory_space<vmem>>, %arg3: memref<1024x768xf32, #tpu.memory_space<vmem>>, %arg4: memref<1024x1xi32, #tpu.memory_space<vmem>>, %arg5: memref<2x768xf32, #tpu.memory_space<vmem>>, %arg6: memref<1x768xf32, #tpu.memory_space<vmem>>, %arg7: memref<1x768xf32, #tpu.memory_space<vmem>>, %arg8: memref<1024x768xf32, #tpu.memory_space<vmem>>) attributes {dimension_semantics = [#tpu.dimension_semantics<arbitrary>, #tpu.dimension_semantics<arbitrary>], iteration_bounds = array<i64: 2, 4>, scalar_prefetch = 0 : i64, scratch_operands = 0 : i64, tpu.core_type = #tpu.core_type<tc>, window_params = [{transform_indices = @transform_0, window_bounds = array<i64: 1024, 768>}, {transform_indices = @transform_1, window_bounds = array<i64: 1024, 768>}, {transform_indices = @transform_2, window_bounds = array<i64: 1024, 1>}, {pipeline_mode = #tpu.pipeline_mode<synchronous>, transform_indices = @transform_3, window_bounds = array<i64: 2, 768>}, {pipeline_mode = #tpu.pipeline_mode<synchronous>, transform_indices = @transform_4, window_bounds = array<i64: 1, 768>}, {pipeline_mode = #tpu.pipeline_mode<synchronous>, transform_indices = @transform_5, window_bounds = array<i64: 1, 768>}, {transform_indices = @transform_6, window_bounds = array<i64: 1024, 768>}]} {
    %get3A = arith.constant 0 : index
    %get3A_0 = arith.constant 0 : index
    %get3A_1 = vector.load %arg2[%get3A, %get3A_0] : memref<1024x768xf32, #tpu.memory_space<vmem>>, vector<1024x768xf32>
    %get3A_2 = arith.constant 0 : index
    %get3A_3 = arith.constant 0 : index
    %get3A_4 = vector.load %arg4[%get3A_2, %get3A_3] : memref<1024x1xi32, #tpu.memory_space<vmem>>, vector<1024x1xi32>
    %get3A_5 = arith.constant 0 : index
    %get3A_6 = arith.constant 0 : index
    %get3A_7 = vector.load %arg3[%get3A_5, %get3A_6] : memref<1024x768xf32, #tpu.memory_space<vmem>>, vector<1024x768xf32>
    %add3A = arith.addf %get3A_1, %get3A_7 : vector<1024x768xf32>
    %eq3A = arith.constant 0 : i32
    %eq3A_8 = vector.broadcast %eq3A : i32 to vector<1024x1xi32>
    %eq3A_9 = arith.cmpi eq, %get3A_4, %eq3A_8 : vector<1024x1xi32>
    %get3A_10 = arith.constant 0 : index
    %get3A_11 = arith.constant 0 : index
    %get3A_12 = vector.load %arg5[%get3A_10, %get3A_11] : memref<2x768xf32, #tpu.memory_space<vmem>>, vector<1x768xf32>
    %get3A_13 = arith.constant 1 : index
    %get3A_14 = arith.constant 0 : index
    %get3A_15 = vector.load %arg5[%get3A_13, %get3A_14] : memref<2x768xf32, #tpu.memory_space<vmem>>, vector<1x768xf32>
    %broadcast_in_dim3A = vector.shape_cast %eq3A_9 : vector<1024x1xi1> to vector<1024x1xi1>
    %broadcast_in_dim3A_16 = vector.broadcast %broadcast_in_dim3A : vector<1024x1xi1> to vector<1024x768xi1>
    %broadcast_in_dim3A_17 = vector.shape_cast %get3A_12 : vector<1x768xf32> to vector<1x768xf32>
    %broadcast_in_dim3A_18 = vector.broadcast %broadcast_in_dim3A_17 : vector<1x768xf32> to vector<1024x768xf32>
    %broadcast_in_dim3A_19 = vector.shape_cast %get3A_15 : vector<1x768xf32> to vector<1x768xf32>
    %broadcast_in_dim3A_20 = vector.broadcast %broadcast_in_dim3A_19 : vector<1x768xf32> to vector<1024x768xf32>
    %select_n3A = arith.select %broadcast_in_dim3A_16, %broadcast_in_dim3A_18, %broadcast_in_dim3A_20 : vector<1024x768xi1>, vector<1024x768xf32>
    %add3A_21 = arith.addf %add3A, %select_n3A : vector<1024x768xf32>
    %reduce_sum3A = arith.constant dense<0.000000e+00> : vector<1024xf32>
    %reduce_sum3A_22 = vector.multi_reduction <add>, %add3A_21, %reduce_sum3A [1] : vector<1024x768xf32> to vector<1024xf32>
    %broadcast_in_dim3A_23 = vector.shape_cast %reduce_sum3A_22 : vector<1024xf32> to vector<1024x1xf32>
    %div3A = arith.constant 7.680000e+02 : f32
    %div3A_24 = vector.broadcast %div3A : f32 to vector<1024x1xf32>
    %div3A_25 = arith.divf %broadcast_in_dim3A_23, %div3A_24 : vector<1024x1xf32>
    %sub3A = vector.broadcast %div3A_25 : vector<1024x1xf32> to vector<1024x768xf32>
    %sub3A_26 = arith.subf %add3A_21, %sub3A : vector<1024x768xf32>
    %mul3A = arith.mulf %sub3A_26, %sub3A_26 : vector<1024x768xf32>
    %reduce_sum3A_27 = arith.constant dense<0.000000e+00> : vector<1024xf32>
    %reduce_sum3A_28 = vector.multi_reduction <add>, %mul3A, %reduce_sum3A_27 [1] : vector<1024x768xf32> to vector<1024xf32>
    %broadcast_in_dim3A_29 = vector.shape_cast %reduce_sum3A_28 : vector<1024xf32> to vector<1024x1xf32>
    %div3A_30 = arith.constant 7.680000e+02 : f32
    %div3A_31 = vector.broadcast %div3A_30 : f32 to vector<1024x1xf32>
    %div3A_32 = arith.divf %broadcast_in_dim3A_29, %div3A_31 : vector<1024x1xf32>
    %add3A_33 = arith.constant 9.99999996E-13 : f32
    %add3A_34 = vector.broadcast %add3A_33 : f32 to vector<1024x1xf32>
    %add3A_35 = arith.addf %div3A_32, %add3A_34 : vector<1024x1xf32>
    %rsqrt3A = math.rsqrt %add3A_35 : vector<1024x1xf32>
    %mul3A_36 = vector.broadcast %rsqrt3A : vector<1024x1xf32> to vector<1024x768xf32>
    %mul3A_37 = arith.mulf %sub3A_26, %mul3A_36 : vector<1024x768xf32>
    %get3A_38 = arith.constant 0 : index
    %get3A_39 = arith.constant 0 : index
    %get3A_40 = vector.load %arg6[%get3A_38, %get3A_39] : memref<1x768xf32, #tpu.memory_space<vmem>>, vector<1x768xf32>
    %mul3A_41 = vector.broadcast %get3A_40 : vector<1x768xf32> to vector<1024x768xf32>
    %mul3A_42 = arith.mulf %mul3A_37, %mul3A_41 : vector<1024x768xf32>
    %get3A_43 = arith.constant 0 : index
    %get3A_44 = arith.constant 0 : index
    %get3A_45 = vector.load %arg7[%get3A_43, %get3A_44] : memref<1x768xf32, #tpu.memory_space<vmem>>, vector<1x768xf32>
    %add3A_46 = vector.broadcast %get3A_45 : vector<1x768xf32> to vector<1024x768xf32>
    %add3A_47 = arith.addf %mul3A_42, %add3A_46 : vector<1024x768xf32>
    %swap3A = arith.constant 0 : index
    %swap3A_48 = arith.constant 0 : index
    %swap3A_49 = vector.load %arg8[%swap3A, %swap3A_48] : memref<1024x768xf32, #tpu.memory_space<vmem>>, vector<1024x768xf32>
    tpu.vector_store %arg8[%swap3A, %swap3A_48], %add3A_47 {strides = array<i32>} : memref<1024x768xf32, #tpu.memory_space<vmem>>, vector<1024x768xf32>,
    return
  }
  func.func @transform_0(%arg0: i32, %arg1: i32) -> (i32, i32) {
    %mul3A = arith.constant 2 : i32
    %mul3A_0 = arith.muli %arg1, %mul3A : i32
    %add3A = arith.addi %mul3A_0, %arg0 : i32
    %c0_i32 = arith.constant 0 : i32
    %c0_i32_1 = arith.constant 0 : i32
    return %add3A, %c0_i32 : i32, i32
  }
  func.func @transform_1(%arg0: i32, %arg1: i32) -> (i32, i32) {
    %c0_i32 = arith.constant 0 : i32
    %c0_i32_0 = arith.constant 0 : i32
    return %arg0, %c0_i32 : i32, i32
  }
  func.func @transform_2(%arg0: i32, %arg1: i32) -> (i32, i32) {
    %mul3A = arith.constant 2 : i32
    %mul3A_0 = arith.muli %arg1, %mul3A : i32
    %add3A = arith.addi %mul3A_0, %arg0 : i32
    %c0_i32 = arith.constant 0 : i32
    %c0_i32_1 = arith.constant 0 : i32
    return %add3A, %c0_i32 : i32, i32
  }
  func.func @transform_3(%arg0: i32, %arg1: i32) -> (i32, i32) {
    %c0_i32 = arith.constant 0 : i32
    %c0_i32_0 = arith.constant 0 : i32
    %c0_i32_1 = arith.constant 0 : i32
    return %c0_i32, %c0_i32_0 : i32, i32
  }
  func.func @transform_4(%arg0: i32, %arg1: i32) -> (i32, i32) {
    %c0_i32 = arith.constant 0 : i32
    %c0_i32_0 = arith.constant 0 : i32
    %c0_i32_1 = arith.constant 0 : i32
    return %c0_i32, %c0_i32_0 : i32, i32
  }
  func.func @transform_5(%arg0: i32, %arg1: i32) -> (i32, i32) {
    %c0_i32 = arith.constant 0 : i32
    %c0_i32_0 = arith.constant 0 : i32
    %c0_i32_1 = arith.constant 0 : i32
    return %c0_i32, %c0_i32_0 : i32, i32
  }
  func.func @transform_6(%arg0: i32, %arg1: i32) -> (i32, i32) {
    %mul3A = arith.constant 2 : i32
    %mul3A_0 = arith.muli %arg1, %mul3A : i32
    %add3A = arith.addi %mul3A_0, %arg0 : i32
    %c0_i32 = arith.constant 0 : i32
    %c0_i32_1 = arith.constant 0 : i32
    return %add3A, %c0_i32 : i32, i32
  }
}

</mosaic_0001>

<sc_bundles>
// kernel: kernel.4.cloned.1.call-start
scs
__scs_entry_jumppad:
0x0: {  	(pc) =	sbr.rel $0x88, $3  }
0x1: {  	(tag) =	ssettag $0x0;
	lr =	simm.s32 $0x1  }
0x2: {  	[smem:$0x3F9A] =	sst lr;
	_ =	strace $0xD0000000  }
0x3: {  	_ = 	snop  }
0x4: {  	_ = 	snop  }
0x5: {  	_ = 	snop  }
0x6: {  	_ = 	snop  }
0x7: {  	_ = 	snop  }
__scs_overlays_trampoline_lowered:
0x8: {  	[smem:$0x3FA9] =	sst s0  }
0x9: {  	[smem:$0x3FAA] =	sst s1  }
0xa: {  	[smem:$0x3FAB] =	sst s2  }
0xb: {  	[smem:$0x3FAC] =	sst s3  }
0xc: {  	[smem:$0x3FAD] =	sst s4  }
0xd: {  	[smem:$0x3FAE] =	sst s5  }
0xe: {  	[smem:$0x3FAF] =	sst s6  }
0xf: {  	[smem:$0x3FB0] =	sst s7  }
0x10: {  	[smem:$0x3FB1] =	sst s8  }
0x11: {  	[smem:$0x3FB2] =	sst s9;
	s0 =	simm.s32 @!p0 $0x0  }
0x12: {  	s1 =	sld [smem:$0x3F98];
	s0 =	simm.s32 @p0 $0x1  }
0x13: {  	[smem:$0x3FB3] =	sst s0;
	s0 =	simm.s32 @!p1 $0x0  }
0x14: {  	s2 =	sld [smem:$0x3F97];
	s0 =	simm.s32 @p1 $0x1  }
0x15: {  	[smem:$0x3FB4] =	sst s0;
	s0 =	simm.s32 @!p2 $0x0  }
0x16: {  	s3 =	sld [smem:$0x3FDB];
	s0 =	simm.s32 @p2 $0x1  }
0x17: {  	s4 =	simm.s32 $0x1BF5;
	[smem:$0x3FB6] =	sst s0  }
0x18: {  	s0 =	sld [smem:$0x3F99];
	_ =	swait.ge [sflag:s4], $0x0  }
0x19: {  	s7 =	sld [smem:$0x3F9A]  }
0x1a: {  	s8 =	sadd.s32 $0xFFFFE003, lr  }
0x1b: {  	s9 =	sadd.s32 $0xFFFFFEF7, lr;
	s5 =	simm.s32 $0xFFFFFFFF;
	p2 =	slt.u32 s8, $0xFFFFF086  }
0x1c: {  	p1 =	slt.u32 s9, $0xF7A;
	s5 =	simm.s32 @!p2 $0x0  }
0x1d: {  	s5 =	simm.s32 @p1 $0x1;
	p0 =	seq.s32 s7, s2  }
0x1e: {  	s7 =	smul.u32 @!p0 $0xF7A, s2;
	p2 =	seq.s32 @!p0 s5, $0x0  }
0x1f: {  	s9 =	smul.u32 $0xF7A, s1;
	s8 =	simm.s32 @!p0 $0x1BF5;
	p2 =	por !p2, p0  }
0x20: {  	[sflag:s8] =	ssyncset.s32 @!p0 $0xFFFFF086;
	s6 =	sadd.s32 @!p0 s3, s7;
	s7 =	simm.s32 @!p0 $0x108  }
0x21: {  	s3 =	sadd.s32 s3, s9;
	s6 =	sadd.s32 @!p0 $0x88, s6;
	s7 =	simm.s32 @p2 $0x1082  }
0x22: {  	[simem:s7], [sflag:s8] =	dma.local @!p0 [hbm:s6], $0xF7A  }
0x23: {  	s9 =	sor.u32 $0xD0000000, s2;
	s6 =	simm.s32 $0x108;
	_ =	swait.ge @!p0 [sflag:s8], $0x0  }
0x24: {  	s3 =	sadd.s32 $0x88, s3;
	s6 =	simm.s32 @!p1 $0x1082;
	[sflag:s4] =	ssyncset.s32 $0xFFFFF086  }
0x25: {  	[simem:s6], [sflag:s4] =	dma.local [hbm:s3], $0xF7A  }
0x26: {  	[smem:$0x3F9A] =	sst s1;
	(tag) =	ssettag s2;
	_ =	strace s9  }
0x27: {  	s1 =	sld [smem:$0x3FAA]  }
0x28: {  	s2 =	sld [smem:$0x3FAB]  }
0x29: {  	s4 =	sld [smem:$0x3FAD]  }
0x2a: {  	p0 =	seq.s32 s5, $0x0;
	s5 =	sld [smem:$0x3FAE]  }
0x2b: {  	s6 =	sld [smem:$0x3FAF]  }
0x2c: {  	s7 =	sld [smem:$0x3FB0]  }
0x2d: {  	s3 =	simm.s32 $0x108;
	s8 =	sld [smem:$0x3FB1]  }
0x2e: {  	s3 =	simm.s32 @!p0 $0x1082;
	s9 =	sld [smem:$0x3FB2]  }
0x2f: {  	lr =	sadd.s32 s0, s3;
	s0 =	sld [smem:$0x3FA9]  }
0x30: {  	s3 =	sld [smem:$0x3FAC]  }
0x31: {  	[smem:$0x3FB5] =	sst s10  }
0x32: {  	s10 =	sld [smem:$0x3FB3];
	_ =	sdelay $0x3  }
0x33: {  	p0 =	seq.s32 s10, $0x1;
	s10 =	sld [smem:$0x3FB5];
	_ =	sdelay $0x3  }
0x34: {  	[smem:$0x3FB5] =	sst s10  }
0x35: {  	s10 =	sld [smem:$0x3FB4];
	_ =	sdelay $0x3  }
0x36: {  	p1 =	seq.s32 s10, $0x1;
	s10 =	sld [smem:$0x3FB5];
	_ =	sdelay $0x3  }
0x37: {  	[smem:$0x3FB5] =	sst s10  }
0x38: {  	s10 =	sld [smem:$0x3FB6]  }
0x39: {  	_ = 	snop;
	(pc) =	sbr.ind lr, $3  }
0x3a: {  	_ = 	snop  }
0x3b: {  	_ = 	snop  }
0x3c: {  	p2 =	seq.s32 s10, $0x1;
	s10 =	sld [smem:$0x3FB5]  }
0x3d: {  	_ =	shalt  }
0x3e: {  	_ =	shalt  }
0x3f: {  	_ =	shalt  }
0x40: {  	_ =	shalt  }
0x41: {  	_ =	shalt  }
0x42: {  	_ =	shalt  }
0x43: {  	_ =	shalt  }
0x44: {  	_ =	shalt  }
0x45: {  	_ =	shalt  }
0x46: {  	_ =	shalt  }
0x47: {  	_ =	shalt  }
0x48: {  	_ =	shalt  }
0x49: {  	_ =	shalt  }
0x4a: {  	_ =	shalt  }
0x4b: {  	_ =	shalt  }
0x4c: {  	_ =	shalt  }
0x4d: {  	_ =	shalt  }
0x4e: {  	_ =	shalt  }
0x4f: {  	_ =	shalt  }
0x50: {  	_ =	shalt  }
0x51: {  	_ =	shalt  }
0x52: {  	_ =	shalt  }
0x53: {  	_ =	shalt  }
0x54: {  	_ =	shalt  }
0x55: {  	_ =	shalt  }
0x56: {  	_ =	shalt  }
0x57: {  	_ =	shalt  }
0x58: {  	_ =	shalt  }
0x59: {  	_ =	shalt  }
0x5a: {  	_ =	shalt  }
0x5b: {  	_ =	shalt  }
0x5c: {  	_ =	shalt  }
0x5d: {  	_ =	shalt  }
0x5e: {  	_ =	shalt  }
0x5f: {  	_ =	shalt  }
0x60: {  	_ =	shalt  }
0x61: {  	_ =	shalt  }
0x62: {  	_ =	shalt  }
0x63: {  	_ =	shalt  }
0x64: {  	_ =	shalt  }
0x65: {  	_ =	shalt  }
0x66: {  	_ =	shalt  }
0x67: {  	_ =	shalt  }
0x68: {  	_ =	shalt  }
0x69: {  	_ =	shalt  }
0x6a: {  	_ =	shalt  }
0x6b: {  	_ =	shalt  }
0x6c: {  	_ =	shalt  }
0x6d: {  	_ =	shalt  }
0x6e: {  	_ =	shalt  }
0x6f: {  	_ =	shalt  }
0x70: {  	_ =	shalt  }
0x71: {  	_ =	shalt  }
0x72: {  	_ =	shalt  }
0x73: {  	_ =	shalt  }
0x74: {  	_ =	shalt  }
0x75: {  	_ =	shalt  }
0x76: {  	_ =	shalt  }
0x77: {  	_ =	shalt  }
0x78: {  	_ =	shalt  }
0x79: {  	_ =	shalt  }
0x7a: {  	_ =	shalt  }
0x7b: {  	_ =	shalt  }
0x7c: {  	_ =	shalt  }
0x7d: {  	_ =	shalt  }
0x7e: {  	_ =	shalt  }
0x7f: {  	_ =	shalt  }
0x80: {  	_ =	shalt  }
0x81: {  	_ =	shalt  }
0x82: {  	_ =	shalt  }
0x83: {  	_ =	shalt  }
0x84: {  	_ =	shalt  }
0x85: {  	_ =	shalt  }
0x86: {  	_ =	shalt  }
0x87: {  	_ =	shalt  }
.Lfunc_end0:
.L_simem_size_0:
called_computation_lowered:
.L_overlay_start_0:
0x88: {  	s2 =	sld [smem:$0x3FD9]  }
0x89: {  	s3 =	sld [smem:$0x3FFE];
	_ =	sdelay $0x1  }
0x8a: {  	s1 =	srdreg.scid  }
0x8b: {  	s0 =	sand.u32 $0x1, s1  }
0x8c: {  	s17 =	sshll.u32 s0, $0xA;
	s2 =	sadd.s32 s3, s2  }
0x8d: {  	s2 =	sadd.s32 s2, s17  }
0x8e: {  	[smem:$0x3FC1] =	sst s2  }
0x8f: {  	_ = 	snop  }
0x90: {  	s2 =	sld [smem:$0x3FC9]  }
0x91: {  	s18 =	sld [smem:$0x3FC7];
	(tm) =	ssettm $0x1  }
0x92: {  	s4 =	sld [smem:$0x3FFB];
	_ =	sdelay $0x3  }
0x93: {  	_ =	strace s4  }
0x94: {  	s4 =	sld [smem:$0x3FFC];
	_ =	sdelay $0x3  }
0x95: {  	_ =	strace s4  }
0x96: {  	s4 =	sld [smem:$0x3FFD];
	_ =	sdelay $0x3  }
0x97: {  	_ =	strace s4  }
0x98: {  	_ =	strace $0x8FFFFFFF  }
0x99: {  	s19 =	sld [smem:$0x3FDB];
	_ =	sdelay $0x1  }
0x9a: {  	s5 =	simm.s32 $_scs_section_size  }
0x9b: {  	s6 =	simm.s32 $_size__tile_overlayer_lowered;
	s7 =	simm.s32 $_tile_overlayer_lowered  }
0x9c: {  	s22 =	simm.s32 $0x1BFF;
	s21 =	sshll.u32 s7, $0x1;
	s4 =	sadd.s32 s5, s19  }
0x9d: {  	s8 =	simm.s32 $0x0;
	s20 =	sshll.u32 s6, $0x1;
	s6 =	sadd.s32 s21, s4  }
0x9e: {  	[timem:s8], [sflag:s22] =	dma.local [hbm:s6], s20  }
0x9f: {  	_ =	swait.ge [sflag:s22], s20  }
0xa0: {  	s5 =	ssub.s32 $0x0, s20;
	[sflag:s22] =	ssyncset.done $0x0  }
0xa1: {  	[sflag:s22] =	ssyncadd.s32 s5;
	_ =	sdelay $0x1  }
0xa2: {  	s23 =	simm.s32 $0x1B8B  }
0xa3: {  	_ =	swait.ge [sflag:s23], $0x1  }
0xa4: {  	[sflag:s23] =	ssyncset.done $0x0  }
0xa5: {  	s25 =	simm.s32 $0x1B8E;
	s24 =	sld [smem:$0x3FFE];
	[sflag:s23] =	ssyncadd.s32 $0xFFFFFFFF  }
0xa6: {  	s26 =	simm.s32 $execute0_lowered;
	[smem:$0x3FD2] =	sst s25  }
0xa7: {  	s6 =	sshll.u32 s26, $0x1;
	_ =	strace $0x80000046;
	[dreg:$0x1] =	wrdreg $0xFFFFFFFF  }
0xa8: {  	s28 =	simm.s32 $_size_execute0_lowered;
	s4 =	sadd.s32 s4, s6;
	[dreg:$0x0] =	wrdreg $0x0  }
0xa9: {  	s6 =	sshll.u32 s28, $0x1;
	[dreg:$0x2] =	wrdreg s4  }
0xaa: {  	[dreg:$0x3] =	wrdreg s6  }
0xab: {  	[dreg:$0x4] =	wrdreg $0xC0  }
0xac: {  	_ =	task [dreg:s8], $0x5FFFF  }
0xad: {  	[dreg:$0x1] =	wrdreg $0xFFFFFFFF  }
0xae: {  	[dreg:$0x0] =	wrdreg $0x60  }
0xaf: {  	[dreg:$0x2] =	wrdreg s2  }
0xb0: {  	[dreg:$0x3] =	wrdreg s18  }
0xb1: {  	[dreg:$0x4] =	wrdreg s24  }
0xb2: {  	[dreg:$0x5] =	wrdreg $0x9  }
0xb3: {  	_ =	task.clear_ibuf [dreg:s8], $0x6FFFF;
	_ =	strace $0x90000046  }
0xb4: {  	s29 =	simm.s32 $0x9;
	_ =	strace $0x80000048  }
0xb5: {  	_ =	swait.ge [sflag:s29], $0x1  }
0xb6: {  	[sflag:s29] =	ssyncadd.s32 $0xFFFFFFFF  }
0xb7: {  	_ =	strace $0x90000048  }
0xb8: {  	_ =	sfence  }
0xb9: {  	s30 =	sld [smem:$0x0];
	_ =	sdelay $0x2  }
0xba: {  	s31 =	sshll.u32 s1, $0xD;
	s1 =	sshrl.u32 s1, $0x2  }
0xbb: {  	s3 =	sand.u32 $0x4000, s31;
	s1 =	sadd.s32 s1, s30  }
0xbc: {  	s0 =	sor.u32 s3, s0;
	s1 =	sshll.u32 s1, $0x11  }
0xbd: {  	s0 =	sor.u32 s1, s0  }
0xbe: {  	s0 =	sadd.s32 $0x8F2B, s0  }
0xbf: {  	[sflag:s0] =	ssyncadd.remote.s32 $0x1  }
0xc0: {  	_ =	sfence.sel $0xFFFF  }
0xc1: {  	[dreg:$0x0] =	wrdreg $0xFFFFFFFF;
	(pc) =	sbr.abs _section_cstart, $3  }
0xc2: {  	[dreg:$0x1] =	wrdreg $0xFFFFFFFF  }
0xc3: {  	_ =	task.clear_ibuf [dreg:s8], $0x2FFFF;
	_ =	strace $0x9FFFFFFF  }
0xc4: {  	(tm) =	ssettm $0x7FFFFFFF  }
0xc5: {  	_ =	shalt  }
tec
execute0_lowered:
.L_overlay_start_1:
0x0: {  	(tag) =	ssettag $0x1  }
0x1: {  	s1 =	rddreg [dreg:$0x0]  }
0x2: {  	s0 =	srdreg.scid;
	s2 =	rddreg [dreg:$0x1]  }
0x3: {  	s3 =	stileid.u32;
	s5 =	rddreg [dreg:$0x2]  }
0x4: {  	s12 =	simm.s32 $0x3;
	s13 =	simm.s32 $0x2;
	s14 =	simm.s32 $0x4  }
0x5: {  	s17 =	simm.s32 $0x900;
	s18 =	simm.s32 $0x1100;
	s28 =	simm.s32 $0x5900  }
0x6: {  	s29 =	simm.s32 $0x6100;
	s30 =	simm.s32 $0x6900;
	s31 =	simm.s32 $0x7100  }
0x7: {  	s9 =	simm.s32 $0x9100;
	s10 =	simm.s32 $0x9900;
	s0 =	sand.u32 $0x1, s0  }
0x8: {  	s11 =	simm.s32 $0xC100;
	s3 =	sshll.u32 s3, $0x7;
	s4 =	sshll.u32 s0, $0x6  }
0x9: {  	s0 =	ssub.s32 $0x2, s0;
	s6 =	sor.u32 s4, s3;
	s3 =	simm.s32 $0x0  }
0xa: {  	s24 =	sshrl.u32 s0, $0x1;
	s7 =	sshll.u32 s6, $0x2;
	s6 =	sshrl.u32 s6, $0x3  }
0xb: {  	[smem:$0x7FF] =	sst s3;
	s0 =	ssub.s32 s0, s24;
	s8 =	sand.u32 $0x1E00, s7  }
0xc: {  	s24 =	simm.s32 $0x4100;
	s6 =	smul.u32 $0x1800, s6;
	s8 =	sor.u32 s4, s8  }
0xd: {  	_ =	strace $0x80000047;
	s4 =	sor.u32 s4, s7;
	s8 =	sshrl.u32 s8, $0x3  }
0xe: {  	s6 =	sshrl.u32 s6, $0x3;
	s4 =	sshrl.u32 s4, $0x3;
	s8 =	sadd.s32 s1, s8  }
0xf: {  	s6 =	sadd.s32 s6, s5;
	[dreg:$0xb] =	wrdreg s8;
	s19 =	sadd.s32 $0x10, s8  }
0x10: {  	s21 =	sor.u32 $0x20, s4;
	s20 =	sadd.s32 $0xE00, s6;
	[dreg:$0x4] =	wrdreg s19  }
0x11: {  	s7 =	smax.u32 s0, $0x1;
	s22 =	sadd.s32 s1, s21;
	[dreg:$0x5] =	wrdreg s20  }
0x12: {  	s4 =	sor.u32 $0x30, s4;
	s23 =	sadd.s32 $0x30E00, s6;
	[dreg:$0x6] =	wrdreg s22  }
0x13: {  	s5 =	sadd.s32 $0x100, s2;
	s1 =	sadd.s32 s1, s4;
	[dreg:$0x7] =	wrdreg s23  }
0x14: {  	s25 =	sadd.s32 $0x60E00, s6;
	s26 =	sadd.s32 $0x90E00, s6;
	[dreg:$0x8] =	wrdreg s1  }
0x15: {  	s6 =	sadd.s32 $0x200, s2;
	s8 =	simm.s32 $0x5;
	[dreg:$0x9] =	wrdreg s25  }
0x16: {  	v2 =	vlaneseq.u32;
	s4 =	simm.s32 $0x1;
	s21 =	simm.s32 $0x2900;
	[dreg:$0xa] =	wrdreg s26  }
0x17: {  	vm0 =	vmmov $0xffff;
	v1 =	vshrl.u32 v2, $0x3;
	s19 =	simm.s32 $0x1900;
	s20 =	simm.s32 $0x2100;
	s22 =	simm.s32 $0x3100  }
0x18: {  	v0 =	vand.u32 $0x7, v2;
	v2 =	vor.u32 $0x8, v2;
	v1 =	vmul.u32 $0x8, v1;
	s23 =	simm.s32 $0x3900;
	s25 =	simm.s32 $0x4900;
	s26 =	simm.s32 $0x5100  }
.LBB2_1:
0x19: {  	s15 =	rddreg [dreg:$0xb]  }
0x1a: {  	[tilespmem:s3], [sflag:$0x5] =	stream.linear.gather [hbm4b:s15+s3], $0x40, $0x38;
	[tilespmem:$0x18100] =	vst v63  }
0x1b: {  	_ =	swait.ge [sflag:s8], $0x40  }
0x1c: {  	[sflag:s8] =	ssyncset.done $0x0  }
0x1d: {  	[sflag:s8] =	ssyncadd.s32 $0xFFFFFFC0  }
0x1e: {  	v3 =	vld [tilespmem:$0x0];
	_ =	sdelay $0x4  }
0x1f: {  	v4 =	vshrl.u32 v3, $0x3  }
0x20: {  	v4 =	vmul.u32 $0x30, v4  }
0x21: {  	v3 =	vand.u32 $0x7, v3  }
0x22: {  	v3 =	vor.u32 v3, v4  }
0x23: {  	v4 =	vperm.xlane v3, v0;
	_ =	sdelay $0x1  }
0x24: {  	v4 =	vadd.s32 v1, v4;
	_ =	sdelay $0x3  }
0x25: {  	s0 =	simm.s32 $0x100;
	v3 =	vperm.xlane v3, v2  }
0x26: {  	[tilespmem:s0], [sflag:$0x1] =	stream.indirect_vreg.gather [hbm4b:s2+s3], $0x80, v4, vm0, $0xb8;
	[tilespmem:$0x18100] =	vst v63  }
0x27: {  	v3 =	vadd.s32 v1, v3  }
0x28: {  	[tilespmem:s17], [sflag:$0x1] =	stream.indirect_vreg.gather [hbm4b:s5+s3], $0x80, v4, vm0, $0xb8;
	[tilespmem:$0x18100] =	vst v63  }
0x29: {  	_ = 	snop  }
0x2a: {  	[tilespmem:s18], [sflag:$0x1] =	stream.indirect_vreg.gather [hbm4b:s6+s3], $0x80, v4, vm0, $0xb8;
	[tilespmem:$0x18100] =	vst v63  }
0x2b: {  	_ = 	snop  }
0x2c: {  	[tilespmem:s19], [sflag:$0x1] =	stream.indirect_vreg.gather [hbm4b:s2+s3], $0x80, v3, vm0, $0xb8;
	[tilespmem:$0x18100] =	vst v63  }
0x2d: {  	_ = 	snop  }
0x2e: {  	[tilespmem:s20], [sflag:$0x1] =	stream.indirect_vreg.gather [hbm4b:s5+s3], $0x80, v3, vm0, $0xb8;
	[tilespmem:$0x18100] =	vst v63  }
0x2f: {  	_ = 	snop  }
0x30: {  	[tilespmem:s21], [sflag:$0x1] =	stream.indirect_vreg.gather [hbm4b:s6+s3], $0x80, v3, vm0, $0xb8;
	[tilespmem:$0x18100] =	vst v63  }
0x31: {  	v3 =	vld [tilespmem:$0x10];
	_ =	sdelay $0x4  }
0x32: {  	v49 =	vshrl.u32 v3, $0x3  }
0x33: {  	v4 =	vmul.u32 $0x30, v49  }
0x34: {  	v3 =	vand.u32 $0x7, v3  }
0x35: {  	v3 =	vor.u32 v3, v4  }
0x36: {  	v4 =	vperm.xlane v3, v0;
	_ =	sdelay $0x1  }
0x37: {  	v4 =	vadd.s32 v1, v4;
	_ =	sdelay $0x3  }
0x38: {  	v3 =	vperm.xlane v3, v2  }
0x39: {  	[tilespmem:s22], [sflag:$0x1] =	stream.indirect_vreg.gather [hbm4b:s2+s3], $0x80, v4, vm0, $0xb8;
	[tilespmem:$0x18100] =	vst v63  }
0x3a: {  	v3 =	vadd.s32 v1, v3  }
0x3b: {  	[tilespmem:s23], [sflag:$0x1] =	stream.indirect_vreg.gather [hbm4b:s5+s3], $0x80, v4, vm0, $0xb8;
	[tilespmem:$0x18100] =	vst v63  }
0x3c: {  	_ = 	snop  }
0x3d: {  	[tilespmem:s24], [sflag:$0x1] =	stream.indirect_vreg.gather [hbm4b:s6+s3], $0x80, v4, vm0, $0xb8;
	[tilespmem:$0x18100] =	vst v63  }
0x3e: {  	_ = 	snop  }
0x3f: {  	[tilespmem:s25], [sflag:$0x1] =	stream.indirect_vreg.gather [hbm4b:s2+s3], $0x80, v3, vm0, $0xb8;
	[tilespmem:$0x18100] =	vst v63  }
0x40: {  	_ = 	snop  }
0x41: {  	[tilespmem:s26], [sflag:$0x1] =	stream.indirect_vreg.gather [hbm4b:s5+s3], $0x80, v3, vm0, $0xb8;
	[tilespmem:$0x18100] =	vst v63  }
0x42: {  	_ = 	snop  }
0x43: {  	[tilespmem:s28], [sflag:$0x1] =	stream.indirect_vreg.gather [hbm4b:s6+s3], $0x80, v3, vm0, $0xb8;
	[tilespmem:$0x18100] =	vst v63  }
0x44: {  	v3 =	vld [tilespmem:$0x20];
	_ =	sdelay $0x4  }
0x45: {  	v50 =	vshrl.u32 v3, $0x3  }
0x46: {  	v4 =	vmul.u32 $0x30, v50  }
0x47: {  	v3 =	vand.u32 $0x7, v3  }
0x48: {  	v3 =	vor.u32 v3, v4  }
0x49: {  	v4 =	vperm.xlane v3, v0;
	_ =	sdelay $0x1  }
0x4a: {  	v4 =	vadd.s32 v1, v4;
	_ =	sdelay $0x3  }
0x4b: {  	v3 =	vperm.xlane v3, v2  }
0x4c: {  	[tilespmem:s29], [sflag:$0x1] =	stream.indirect_vreg.gather [hbm4b:s2+s3], $0x80, v4, vm0, $0xb8;
	[tilespmem:$0x18100] =	vst v63  }
0x4d: {  	v3 =	vadd.s32 v1, v3  }
0x4e: {  	[tilespmem:s30], [sflag:$0x1] =	stream.indirect_vreg.gather [hbm4b:s5+s3], $0x80, v4, vm0, $0xb8;
	[tilespmem:$0x18100] =	vst v63  }
0x4f: {  	_ = 	snop  }
0x50: {  	[tilespmem:s31], [sflag:$0x1] =	stream.indirect_vreg.gather [hbm4b:s6+s3], $0x80, v4, vm0, $0xb8;
	[tilespmem:$0x18100] =	vst v63  }
0x51: {  	s16 =	simm.s32 $0x7900  }
0x52: {  	[tilespmem:s16], [sflag:$0x1] =	stream.indirect_vreg.gather [hbm4b:s2+s3], $0x80, v3, vm0, $0xb8;
	[tilespmem:$0x18100] =	vst v63  }
0x53: {  	s1 =	simm.s32 $0x8100  }
0x54: {  	[tilespmem:s1], [sflag:$0x1] =	stream.indirect_vreg.gather [hbm4b:s5+s3], $0x80, v3, vm0, $0xb8;
	[tilespmem:$0x18100] =	vst v63  }
0x55: {  	s15 =	simm.s32 $0x8900  }
0x56: {  	[tilespmem:s15], [sflag:$0x1] =	stream.indirect_vreg.gather [hbm4b:s6+s3], $0x80, v3, vm0, $0xb8;
	[tilespmem:$0x18100] =	vst v63  }
0x57: {  	v3 =	vld [tilespmem:$0x30];
	_ =	sdelay $0x4  }
0x58: {  	v51 =	vshrl.u32 v3, $0x3  }
0x59: {  	v4 =	vmul.u32 $0x30, v51  }
0x5a: {  	v3 =	vand.u32 $0x7, v3  }
0x5b: {  	v3 =	vor.u32 v3, v4  }
0x5c: {  	v4 =	vperm.xlane v3, v0;
	_ =	sdelay $0x1  }
0x5d: {  	v4 =	vadd.s32 v1, v4;
	_ =	sdelay $0x3  }
0x5e: {  	v3 =	vperm.xlane v3, v2  }
0x5f: {  	[tilespmem:s9], [sflag:$0x1] =	stream.indirect_vreg.gather [hbm4b:s2+s3], $0x80, v4, vm0, $0xb8;
	[tilespmem:$0x18100] =	vst v63  }
0x60: {  	v3 =	vadd.s32 v1, v3  }
0x61: {  	[tilespmem:s10], [sflag:$0x1] =	stream.indirect_vreg.gather [hbm4b:s5+s3], $0x80, v4, vm0, $0xb8;
	[tilespmem:$0x18100] =	vst v63  }
0x62: {  	s16 =	simm.s32 $0xA100  }
0x63: {  	[tilespmem:s16], [sflag:$0x1] =	stream.indirect_vreg.gather [hbm4b:s6+s3], $0x80, v4, vm0, $0xb8;
	[tilespmem:$0x18100] =	vst v63  }
0x64: {  	s1 =	simm.s32 $0xA900  }
0x65: {  	[tilespmem:s1], [sflag:$0x1] =	stream.indirect_vreg.gather [hbm4b:s2+s3], $0x80, v3, vm0, $0xb8;
	[tilespmem:$0x18100] =	vst v63  }
0x66: {  	s15 =	simm.s32 $0xB100  }
0x67: {  	[tilespmem:s15], [sflag:$0x1] =	stream.indirect_vreg.gather [hbm4b:s5+s3], $0x80, v3, vm0, $0xb8;
	[tilespmem:$0x18100] =	vst v63  }
0x68: {  	s0 =	simm.s32 $0xB900  }
0x69: {  	[tilespmem:s0], [sflag:$0x1] =	stream.indirect_vreg.gather [hbm4b:s6+s3], $0x80, v3, vm0, $0xb8;
	[tilespmem:$0x18100] =	vst v63  }
0x6a: {  	s16 =	rddreg [dreg:$0x4];
	s1 =	simm.s32 $0x80  }
0x6b: {  	[tilespmem:s1], [sflag:$0x5] =	stream.linear.gather [hbm4b:s16+s3], $0x40, $0x38;
	[tilespmem:$0x18100] =	vst v63  }
0x6c: {  	_ =	swait.ge [sflag:s8], $0x40  }
0x6d: {  	[sflag:s8] =	ssyncset.done $0x0  }
0x6e: {  	[sflag:s8] =	ssyncadd.s32 $0xFFFFFFC0  }
0x6f: {  	v3 =	vld [tilespmem:$0x80];
	_ =	sdelay $0x4  }
0x70: {  	v52 =	vshrl.u32 v3, $0x3  }
0x71: {  	v4 =	vmul.u32 $0x30, v52  }
0x72: {  	v3 =	vand.u32 $0x7, v3  }
0x73: {  	v3 =	vor.u32 v3, v4  }
0x74: {  	v4 =	vperm.xlane v3, v0;
	_ =	sdelay $0x1  }
0x75: {  	v4 =	vadd.s32 v1, v4;
	_ =	sdelay $0x3  }
0x76: {  	v3 =	vperm.xlane v3, v2  }
0x77: {  	[tilespmem:s11], [sflag:$0x2] =	stream.indirect_vreg.gather [hbm4b:s2+s3], $0x80, v4, vm0, $0xb8;
	[tilespmem:$0x18100] =	vst v63  }
0x78: {  	s15 =	simm.s32 $0xC900;
	v3 =	vadd.s32 v1, v3  }
0x79: {  	[tilespmem:s15], [sflag:$0x2] =	stream.indirect_vreg.gather [hbm4b:s5+s3], $0x80, v4, vm0, $0xb8;
	[tilespmem:$0x18100] =	vst v63  }
0x7a: {  	s16 =	simm.s32 $0xD100  }
0x7b: {  	[tilespmem:s16], [sflag:$0x2] =	stream.indirect_vreg.gather [hbm4b:s6+s3], $0x80, v4, vm0, $0xb8;
	[tilespmem:$0x18100] =	vst v63  }
0x7c: {  	s15 =	simm.s32 $0xD900  }
0x7d: {  	[tilespmem:s15], [sflag:$0x2] =	stream.indirect_vreg.gather [hbm4b:s2+s3], $0x80, v3, vm0, $0xb8;
	[tilespmem:$0x18100] =	vst v63  }
0x7e: {  	s16 =	simm.s32 $0xE100  }
0x7f: {  	[tilespmem:s16], [sflag:$0x2] =	stream.indirect_vreg.gather [hbm4b:s5+s3], $0x80, v3, vm0, $0xb8;
	[tilespmem:$0x18100] =	vst v63  }
0x80: {  	s15 =	simm.s32 $0xE900  }
0x81: {  	[tilespmem:s15], [sflag:$0x2] =	stream.indirect_vreg.gather [hbm4b:s6+s3], $0x80, v3, vm0, $0xb8;
	[tilespmem:$0x18100] =	vst v63  }
0x82: {  	v3 =	vld [tilespmem:$0x90];
	_ =	sdelay $0x4  }
0x83: {  	v53 =	vshrl.u32 v3, $0x3  }
0x84: {  	v4 =	vmul.u32 $0x30, v53  }
0x85: {  	v3 =	vand.u32 $0x7, v3  }
0x86: {  	v3 =	vor.u32 v3, v4  }
0x87: {  	v4 =	vperm.xlane v3, v0;
	_ =	sdelay $0x1  }
0x88: {  	v4 =	vadd.s32 v1, v4;
	_ =	sdelay $0x3  }
0x89: {  	s16 =	simm.s32 $0xF100;
	v3 =	vperm.xlane v3, v2  }
0x8a: {  	[tilespmem:s16], [sflag:$0x2] =	stream.indirect_vreg.gather [hbm4b:s2+s3], $0x80, v4, vm0, $0xb8;
	[tilespmem:$0x18100] =	vst v63  }
0x8b: {  	s15 =	simm.s32 $0xF900;
	v3 =	vadd.s32 v1, v3  }
0x8c: {  	[tilespmem:s15], [sflag:$0x2] =	stream.indirect_vreg.gather [hbm4b:s5+s3], $0x80, v4, vm0, $0xb8;
	[tilespmem:$0x18100] =	vst v63  }
0x8d: {  	s16 =	simm.s32 $0x10100  }
0x8e: {  	[tilespmem:s16], [sflag:$0x2] =	stream.indirect_vreg.gather [hbm4b:s6+s3], $0x80, v4, vm0, $0xb8;
	[tilespmem:$0x18100] =	vst v63  }
0x8f: {  	s15 =	simm.s32 $0x10900  }
0x90: {  	[tilespmem:s15], [sflag:$0x2] =	stream.indirect_vreg.gather [hbm4b:s2+s3], $0x80, v3, vm0, $0xb8;
	[tilespmem:$0x18100] =	vst v63  }
0x91: {  	s16 =	simm.s32 $0x11100  }
0x92: {  	[tilespmem:s16], [sflag:$0x2] =	stream.indirect_vreg.gather [hbm4b:s5+s3], $0x80, v3, vm0, $0xb8;
	[tilespmem:$0x18100] =	vst v63  }
0x93: {  	s15 =	simm.s32 $0x11900  }
0x94: {  	[tilespmem:s15], [sflag:$0x2] =	stream.indirect_vreg.gather [hbm4b:s6+s3], $0x80, v3, vm0, $0xb8;
	[tilespmem:$0x18100] =	vst v63  }
0x95: {  	v3 =	vld [tilespmem:$0xA0];
	_ =	sdelay $0x4  }
0x96: {  	v54 =	vshrl.u32 v3, $0x3  }
0x97: {  	v4 =	vmul.u32 $0x30, v54  }
0x98: {  	v3 =	vand.u32 $0x7, v3  }
0x99: {  	v3 =	vor.u32 v3, v4  }
0x9a: {  	v4 =	vperm.xlane v3, v0;
	_ =	sdelay $0x1  }
0x9b: {  	v4 =	vadd.s32 v1, v4;
	_ =	sdelay $0x3  }
0x9c: {  	s16 =	simm.s32 $0x12100;
	v3 =	vperm.xlane v3, v2  }
0x9d: {  	[tilespmem:s16], [sflag:$0x2] =	stream.indirect_vreg.gather [hbm4b:s2+s3], $0x80, v4, vm0, $0xb8;
	[tilespmem:$0x18100] =	vst v63  }
0x9e: {  	s15 =	simm.s32 $0x12900;
	v3 =	vadd.s32 v1, v3  }
0x9f: {  	[tilespmem:s15], [sflag:$0x2] =	stream.indirect_vreg.gather [hbm4b:s5+s3], $0x80, v4, vm0, $0xb8;
	[tilespmem:$0x18100] =	vst v63  }
0xa0: {  	s16 =	simm.s32 $0x13100  }
0xa1: {  	[tilespmem:s16], [sflag:$0x2] =	stream.indirect_vreg.gather [hbm4b:s6+s3], $0x80, v4, vm0, $0xb8;
	[tilespmem:$0x18100] =	vst v63  }
0xa2: {  	s15 =	simm.s32 $0x13900  }
0xa3: {  	[tilespmem:s15], [sflag:$0x2] =	stream.indirect_vreg.gather [hbm4b:s2+s3], $0x80, v3, vm0, $0xb8;
	[tilespmem:$0x18100] =	vst v63  }
0xa4: {  	s16 =	simm.s32 $0x14100  }
0xa5: {  	[tilespmem:s16], [sflag:$0x2] =	stream.indirect_vreg.gather [hbm4b:s5+s3], $0x80, v3, vm0, $0xb8;
	[tilespmem:$0x18100] =	vst v63  }
0xa6: {  	s15 =	simm.s32 $0x14900  }
0xa7: {  	[tilespmem:s15], [sflag:$0x2] =	stream.indirect_vreg.gather [hbm4b:s6+s3], $0x80, v3, vm0, $0xb8;
	[tilespmem:$0x18100] =	vst v63  }
0xa8: {  	v3 =	vld [tilespmem:$0xB0];
	_ =	sdelay $0x4  }
0xa9: {  	v55 =	vshrl.u32 v3, $0x3  }
0xaa: {  	v4 =	vmul.u32 $0x30, v55  }
0xab: {  	v3 =	vand.u32 $0x7, v3  }
0xac: {  	v3 =	vor.u32 v3, v4  }
0xad: {  	v4 =	vperm.xlane v3, v0;
	_ =	sdelay $0x1  }
0xae: {  	v4 =	vadd.s32 v1, v4;
	_ =	sdelay $0x3  }
0xaf: {  	s16 =	simm.s32 $0x15100;
	v3 =	vperm.xlane v3, v2  }
0xb0: {  	[tilespmem:s16], [sflag:$0x2] =	stream.indirect_vreg.gather [hbm4b:s2+s3], $0x80, v4, vm0, $0xb8;
	[tilespmem:$0x18100] =	vst v63  }
0xb1: {  	s15 =	simm.s32 $0x15900;
	v3 =	vadd.s32 v1, v3  }
0xb2: {  	[tilespmem:s15], [sflag:$0x2] =	stream.indirect_vreg.gather [hbm4b:s5+s3], $0x80, v4, vm0, $0xb8;
	[tilespmem:$0x18100] =	vst v63  }
0xb3: {  	s16 =	simm.s32 $0x16100  }
0xb4: {  	[tilespmem:s16], [sflag:$0x2] =	stream.indirect_vreg.gather [hbm4b:s6+s3], $0x80, v4, vm0, $0xb8;
	[tilespmem:$0x18100] =	vst v63  }
0xb5: {  	s15 =	simm.s32 $0x16900  }
0xb6: {  	[tilespmem:s15], [sflag:$0x2] =	stream.indirect_vreg.gather [hbm4b:s2+s3], $0x80, v3, vm0, $0xb8;
	[tilespmem:$0x18100] =	vst v63  }
0xb7: {  	s16 =	simm.s32 $0x17100  }
0xb8: {  	[tilespmem:s16], [sflag:$0x2] =	stream.indirect_vreg.gather [hbm4b:s5+s3], $0x80, v3, vm0, $0xb8;
	[tilespmem:$0x18100] =	vst v63  }
0xb9: {  	s15 =	simm.s32 $0x17900  }
0xba: {  	[tilespmem:s15], [sflag:$0x2] =	stream.indirect_vreg.gather [hbm4b:s6+s3], $0x80, v3, vm0, $0xb8;
	[tilespmem:$0x18100] =	vst v63  }
0xbb: {  	_ =	swait.ge [sflag:s4], $0xC000  }
0xbc: {  	[sflag:s4] =	ssyncset.done $0x0  }
0xbd: {  	s1 =	simm.s32 $0x100;
	s15 =	rddreg [dreg:$0x5];
	[sflag:s4] =	ssyncadd.s32 $0xFFFF4000  }
0xbe: {  	[hbm4b:s15+s3] =	stream.linear.scatter [tilespmem:s1], [sflag:$0x3], $0xC000, $0x38;
	[tilespmem:$0x18100] =	vst v63  }
0xbf: {  	s16 =	rddreg [dreg:$0x6]  }
0xc0: {  	[tilespmem:s3], [sflag:$0x5] =	stream.linear.gather [hbm4b:s16+s3], $0x40, $0x38;
	[tilespmem:$0x18100] =	vst v63  }
0xc1: {  	_ =	swait.ge [sflag:s8], $0x40  }
0xc2: {  	[sflag:s8] =	ssyncset.done $0x0  }
0xc3: {  	[sflag:s8] =	ssyncadd.s32 $0xFFFFFFC0  }
0xc4: {  	_ =	swait.ge [sflag:s12], $0xC000  }
0xc5: {  	[sflag:s12] =	ssyncset.done $0x0  }
0xc6: {  	[sflag:s12] =	ssyncadd.s32 $0xFFFF4000  }
0xc7: {  	v3 =	vld [tilespmem:$0x0];
	_ =	sdelay $0x4  }
0xc8: {  	v56 =	vshrl.u32 v3, $0x3  }
0xc9: {  	v4 =	vmul.u32 $0x30, v56  }
0xca: {  	v3 =	vand.u32 $0x7, v3  }
0xcb: {  	v3 =	vor.u32 v3, v4  }
0xcc: {  	v4 =	vperm.xlane v3, v0;
	_ =	sdelay $0x1  }
0xcd: {  	v4 =	vadd.s32 v1, v4;
	_ =	sdelay $0x3  }
0xce: {  	v3 =	vperm.xlane v3, v2  }
0xcf: {  	[tilespmem:s1], [sflag:$0x1] =	stream.indirect_vreg.gather [hbm4b:s2+s3], $0x80, v4, vm0, $0xb8;
	[tilespmem:$0x18100] =	vst v63  }
0xd0: {  	v3 =	vadd.s32 v1, v3  }
0xd1: {  	[tilespmem:s17], [sflag:$0x1] =	stream.indirect_vreg.gather [hbm4b:s5+s3], $0x80, v4, vm0, $0xb8;
	[tilespmem:$0x18100] =	vst v63  }
0xd2: {  	_ = 	snop  }
0xd3: {  	[tilespmem:s18], [sflag:$0x1] =	stream.indirect_vreg.gather [hbm4b:s6+s3], $0x80, v4, vm0, $0xb8;
	[tilespmem:$0x18100] =	vst v63  }
0xd4: {  	_ = 	snop  }
0xd5: {  	[tilespmem:s19], [sflag:$0x1] =	stream.indirect_vreg.gather [hbm4b:s2+s3], $0x80, v3, vm0, $0xb8;
	[tilespmem:$0x18100] =	vst v63  }
0xd6: {  	_ = 	snop  }
0xd7: {  	[tilespmem:s20], [sflag:$0x1] =	stream.indirect_vreg.gather [hbm4b:s5+s3], $0x80, v3, vm0, $0xb8;
	[tilespmem:$0x18100] =	vst v63  }
0xd8: {  	_ = 	snop  }
0xd9: {  	[tilespmem:s21], [sflag:$0x1] =	stream.indirect_vreg.gather [hbm4b:s6+s3], $0x80, v3, vm0, $0xb8;
	[tilespmem:$0x18100] =	vst v63  }
0xda: {  	v3 =	vld [tilespmem:$0x10];
	_ =	sdelay $0x4  }
0xdb: {  	v57 =	vshrl.u32 v3, $0x3  }
0xdc: {  	v4 =	vmul.u32 $0x30, v57  }
0xdd: {  	v3 =	vand.u32 $0x7, v3  }
0xde: {  	v3 =	vor.u32 v3, v4  }
0xdf: {  	v4 =	vperm.xlane v3, v0;
	_ =	sdelay $0x1  }
0xe0: {  	v4 =	vadd.s32 v1, v4;
	_ =	sdelay $0x3  }
0xe1: {  	v3 =	vperm.xlane v3, v2  }
0xe2: {  	[tilespmem:s22], [sflag:$0x1] =	stream.indirect_vreg.gather [hbm4b:s2+s3], $0x80, v4, vm0, $0xb8;
	[tilespmem:$0x18100] =	vst v63  }
0xe3: {  	v3 =	vadd.s32 v1, v3  }
0xe4: {  	[tilespmem:s23], [sflag:$0x1] =	stream.indirect_vreg.gather [hbm4b:s5+s3], $0x80, v4, vm0, $0xb8;
	[tilespmem:$0x18100] =	vst v63  }
0xe5: {  	_ = 	snop  }
0xe6: {  	[tilespmem:s24], [sflag:$0x1] =	stream.indirect_vreg.gather [hbm4b:s6+s3], $0x80, v4, vm0, $0xb8;
	[tilespmem:$0x18100] =	vst v63  }
0xe7: {  	_ = 	snop  }
0xe8: {  	[tilespmem:s25], [sflag:$0x1] =	stream.indirect_vreg.gather [hbm4b:s2+s3], $0x80, v3, vm0, $0xb8;
	[tilespmem:$0x18100] =	vst v63  }
0xe9: {  	_ = 	snop  }
0xea: {  	[tilespmem:s26], [sflag:$0x1] =	stream.indirect_vreg.gather [hbm4b:s5+s3], $0x80, v3, vm0, $0xb8;
	[tilespmem:$0x18100] =	vst v63  }
0xeb: {  	_ = 	snop  }
0xec: {  	[tilespmem:s28], [sflag:$0x1] =	stream.indirect_vreg.gather [hbm4b:s6+s3], $0x80, v3, vm0, $0xb8;
	[tilespmem:$0x18100] =	vst v63  }
0xed: {  	v3 =	vld [tilespmem:$0x20];
	_ =	sdelay $0x4  }
0xee: {  	v58 =	vshrl.u32 v3, $0x3  }
0xef: {  	v4 =	vmul.u32 $0x30, v58  }
0xf0: {  	v3 =	vand.u32 $0x7, v3  }
0xf1: {  	v3 =	vor.u32 v3, v4  }
0xf2: {  	v4 =	vperm.xlane v3, v0;
	_ =	sdelay $0x1  }
0xf3: {  	v4 =	vadd.s32 v1, v4;
	_ =	sdelay $0x3  }
0xf4: {  	v3 =	vperm.xlane v3, v2  }
0xf5: {  	[tilespmem:s29], [sflag:$0x1] =	stream.indirect_vreg.gather [hbm4b:s2+s3], $0x80, v4, vm0, $0xb8;
	[tilespmem:$0x18100] =	vst v63  }
0xf6: {  	v3 =	vadd.s32 v1, v3  }
0xf7: {  	[tilespmem:s30], [sflag:$0x1] =	stream.indirect_vreg.gather [hbm4b:s5+s3], $0x80, v4, vm0, $0xb8;
	[tilespmem:$0x18100] =	vst v63  }
0xf8: {  	_ = 	snop  }
0xf9: {  	[tilespmem:s31], [sflag:$0x1] =	stream.indirect_vreg.gather [hbm4b:s6+s3], $0x80, v4, vm0, $0xb8;
	[tilespmem:$0x18100] =	vst v63  }
0xfa: {  	s16 =	simm.s32 $0x7900  }
0xfb: {  	[tilespmem:s16], [sflag:$0x1] =	stream.indirect_vreg.gather [hbm4b:s2+s3], $0x80, v3, vm0, $0xb8;
	[tilespmem:$0x18100] =	vst v63  }
0xfc: {  	s15 =	simm.s32 $0x8100  }
0xfd: {  	[tilespmem:s15], [sflag:$0x1] =	stream.indirect_vreg.gather [hbm4b:s5+s3], $0x80, v3, vm0, $0xb8;
	[tilespmem:$0x18100] =	vst v63  }
0xfe: {  	s16 =	simm.s32 $0x8900  }
0xff: {  	[tilespmem:s16], [sflag:$0x1] =	stream.indirect_vreg.gather [hbm4b:s6+s3], $0x80, v3, vm0, $0xb8;
	[tilespmem:$0x18100] =	vst v63  }
0x100: {  	v3 =	vld [tilespmem:$0x30];
	_ =	sdelay $0x4  }
0x101: {  	v59 =	vshrl.u32 v3, $0x3  }
0x102: {  	v4 =	vmul.u32 $0x30, v59  }
0x103: {  	v3 =	vand.u32 $0x7, v3  }
0x104: {  	v3 =	vor.u32 v3, v4  }
0x105: {  	v4 =	vperm.xlane v3, v0;
	_ =	sdelay $0x1  }
0x106: {  	v4 =	vadd.s32 v1, v4;
	_ =	sdelay $0x3  }
0x107: {  	v3 =	vperm.xlane v3, v2  }
0x108: {  	[tilespmem:s9], [sflag:$0x1] =	stream.indirect_vreg.gather [hbm4b:s2+s3], $0x80, v4, vm0, $0xb8;
	[tilespmem:$0x18100] =	vst v63  }
0x109: {  	v3 =	vadd.s32 v1, v3  }
0x10a: {  	[tilespmem:s10], [sflag:$0x1] =	stream.indirect_vreg.gather [hbm4b:s5+s3], $0x80, v4, vm0, $0xb8;
	[tilespmem:$0x18100] =	vst v63  }
0x10b: {  	s15 =	simm.s32 $0xA100  }
0x10c: {  	[tilespmem:s15], [sflag:$0x1] =	stream.indirect_vreg.gather [hbm4b:s6+s3], $0x80, v4, vm0, $0xb8;
	[tilespmem:$0x18100] =	vst v63  }
0x10d: {  	s16 =	simm.s32 $0xA900  }
0x10e: {  	[tilespmem:s16], [sflag:$0x1] =	stream.indirect_vreg.gather [hbm4b:s2+s3], $0x80, v3, vm0, $0xb8;
	[tilespmem:$0x18100] =	vst v63  }
0x10f: {  	s15 =	simm.s32 $0xB100  }
0x110: {  	[tilespmem:s15], [sflag:$0x1] =	stream.indirect_vreg.gather [hbm4b:s5+s3], $0x80, v3, vm0, $0xb8;
	[tilespmem:$0x18100] =	vst v63  }
0x111: {  	_ = 	snop  }
0x112: {  	[tilespmem:s0], [sflag:$0x1] =	stream.indirect_vreg.gather [hbm4b:s6+s3], $0x80, v3, vm0, $0xb8;
	[tilespmem:$0x18100] =	vst v63  }
0x113: {  	_ =	swait.ge [sflag:s13], $0xC000  }
0x114: {  	[sflag:s13] =	ssyncset.done $0x0  }
0x115: {  	s16 =	rddreg [dreg:$0x7];
	[sflag:s13] =	ssyncadd.s32 $0xFFFF4000  }
0x116: {  	[hbm4b:s16+s3] =	stream.linear.scatter [tilespmem:s11], [sflag:$0x4], $0xC000, $0x38;
	[tilespmem:$0x18100] =	vst v63  }
0x117: {  	s1 =	simm.s32 $0x80;
	s0 =	rddreg [dreg:$0x8]  }
0x118: {  	[tilespmem:s1], [sflag:$0x5] =	stream.linear.gather [hbm4b:s0+s3], $0x40, $0x38;
	[tilespmem:$0x18100] =	vst v63  }
0x119: {  	_ =	swait.ge [sflag:s8], $0x40  }
0x11a: {  	[sflag:s8] =	ssyncset.done $0x0  }
0x11b: {  	[sflag:s8] =	ssyncadd.s32 $0xFFFFFFC0  }
0x11c: {  	_ =	swait.ge [sflag:s14], $0xC000  }
0x11d: {  	[sflag:s14] =	ssyncset.done $0x0  }
0x11e: {  	[sflag:s14] =	ssyncadd.s32 $0xFFFF4000  }
0x11f: {  	v3 =	vld [tilespmem:$0x80];
	_ =	sdelay $0x4  }
0x120: {  	v60 =	vshrl.u32 v3, $0x3  }
0x121: {  	v4 =	vmul.u32 $0x30, v60  }
0x122: {  	v3 =	vand.u32 $0x7, v3  }
0x123: {  	v3 =	vor.u32 v3, v4  }
0x124: {  	v4 =	vperm.xlane v3, v0;
	_ =	sdelay $0x1  }
0x125: {  	v4 =	vadd.s32 v1, v4;
	_ =	sdelay $0x3  }
0x126: {  	v3 =	vperm.xlane v3, v2  }
0x127: {  	[tilespmem:s11], [sflag:$0x2] =	stream.indirect_vreg.gather [hbm4b:s2+s3], $0x80, v4, vm0, $0xb8;
	[tilespmem:$0x18100] =	vst v63  }
0x128: {  	s15 =	simm.s32 $0xC900;
	v3 =	vadd.s32 v1, v3  }
0x129: {  	[tilespmem:s15], [sflag:$0x2] =	stream.indirect_vreg.gather [hbm4b:s5+s3], $0x80, v4, vm0, $0xb8;
	[tilespmem:$0x18100] =	vst v63  }
0x12a: {  	s16 =	simm.s32 $0xD100  }
0x12b: {  	[tilespmem:s16], [sflag:$0x2] =	stream.indirect_vreg.gather [hbm4b:s6+s3], $0x80, v4, vm0, $0xb8;
	[tilespmem:$0x18100] =	vst v63  }
0x12c: {  	s1 =	simm.s32 $0xD900  }
0x12d: {  	[tilespmem:s1], [sflag:$0x2] =	stream.indirect_vreg.gather [hbm4b:s2+s3], $0x80, v3, vm0, $0xb8;
	[tilespmem:$0x18100] =	vst v63  }
0x12e: {  	s15 =	simm.s32 $0xE100  }
0x12f: {  	[tilespmem:s15], [sflag:$0x2] =	stream.indirect_vreg.gather [hbm4b:s5+s3], $0x80, v3, vm0, $0xb8;
	[tilespmem:$0x18100] =	vst v63  }
0x130: {  	s16 =	simm.s32 $0xE900  }
0x131: {  	[tilespmem:s16], [sflag:$0x2] =	stream.indirect_vreg.gather [hbm4b:s6+s3], $0x80, v3, vm0, $0xb8;
	[tilespmem:$0x18100] =	vst v63  }
0x132: {  	v3 =	vld [tilespmem:$0x90];
	_ =	sdelay $0x4  }
0x133: {  	v61 =	vshrl.u32 v3, $0x3  }
0x134: {  	v4 =	vmul.u32 $0x30, v61  }
0x135: {  	v3 =	vand.u32 $0x7, v3  }
0x136: {  	v3 =	vor.u32 v3, v4  }
0x137: {  	v4 =	vperm.xlane v3, v0;
	_ =	sdelay $0x1  }
0x138: {  	v4 =	vadd.s32 v1, v4;
	_ =	sdelay $0x3  }
0x139: {  	s1 =	simm.s32 $0xF100;
	v3 =	vperm.xlane v3, v2  }
0x13a: {  	[tilespmem:s1], [sflag:$0x2] =	stream.indirect_vreg.gather [hbm4b:s2+s3], $0x80, v4, vm0, $0xb8;
	[tilespmem:$0x18100] =	vst v63  }
0x13b: {  	s15 =	simm.s32 $0xF900;
	v3 =	vadd.s32 v1, v3  }
0x13c: {  	[tilespmem:s15], [sflag:$0x2] =	stream.indirect_vreg.gather [hbm4b:s5+s3], $0x80, v4, vm0, $0xb8;
	[tilespmem:$0x18100] =	vst v63  }
0x13d: {  	s16 =	simm.s32 $0x10100  }
0x13e: {  	[tilespmem:s16], [sflag:$0x2] =	stream.indirect_vreg.gather [hbm4b:s6+s3], $0x80, v4, vm0, $0xb8;
	[tilespmem:$0x18100] =	vst v63  }
0x13f: {  	s1 =	simm.s32 $0x10900  }
0x140: {  	[tilespmem:s1], [sflag:$0x2] =	stream.indirect_vreg.gather [hbm4b:s2+s3], $0x80, v3, vm0, $0xb8;
	[tilespmem:$0x18100] =	vst v63  }
0x141: {  	s15 =	simm.s32 $0x11100  }
0x142: {  	[tilespmem:s15], [sflag:$0x2] =	stream.indirect_vreg.gather [hbm4b:s5+s3], $0x80, v3, vm0, $0xb8;
	[tilespmem:$0x18100] =	vst v63  }
0x143: {  	s16 =	simm.s32 $0x11900  }
0x144: {  	[tilespmem:s16], [sflag:$0x2] =	stream.indirect_vreg.gather [hbm4b:s6+s3], $0x80, v3, vm0, $0xb8;
	[tilespmem:$0x18100] =	vst v63  }
0x145: {  	v3 =	vld [tilespmem:$0xA0];
	_ =	sdelay $0x4  }
0x146: {  	v62 =	vshrl.u32 v3, $0x3  }
0x147: {  	v4 =	vmul.u32 $0x30, v62  }
0x148: {  	v3 =	vand.u32 $0x7, v3  }
0x149: {  	v3 =	vor.u32 v3, v4  }
0x14a: {  	v4 =	vperm.xlane v3, v0;
	_ =	sdelay $0x1  }
0x14b: {  	v4 =	vadd.s32 v1, v4;
	_ =	sdelay $0x3  }
0x14c: {  	s1 =	simm.s32 $0x12100;
	v3 =	vperm.xlane v3, v2  }
0x14d: {  	[tilespmem:s1], [sflag:$0x2] =	stream.indirect_vreg.gather [hbm4b:s2+s3], $0x80, v4, vm0, $0xb8;
	[tilespmem:$0x18100] =	vst v63  }
0x14e: {  	s15 =	simm.s32 $0x12900;
	v3 =	vadd.s32 v1, v3  }
0x14f: {  	[tilespmem:s15], [sflag:$0x2] =	stream.indirect_vreg.gather [hbm4b:s5+s3], $0x80, v4, vm0, $0xb8;
	[tilespmem:$0x18100] =	vst v63  }
0x150: {  	s16 =	simm.s32 $0x13100  }
0x151: {  	[tilespmem:s16], [sflag:$0x2] =	stream.indirect_vreg.gather [hbm4b:s6+s3], $0x80, v4, vm0, $0xb8;
	[tilespmem:$0x18100] =	vst v63  }
0x152: {  	s1 =	simm.s32 $0x13900  }
0x153: {  	[tilespmem:s1], [sflag:$0x2] =	stream.indirect_vreg.gather [hbm4b:s2+s3], $0x80, v3, vm0, $0xb8;
	[tilespmem:$0x18100] =	vst v63  }
0x154: {  	s15 =	simm.s32 $0x14100  }
0x155: {  	[tilespmem:s15], [sflag:$0x2] =	stream.indirect_vreg.gather [hbm4b:s5+s3], $0x80, v3, vm0, $0xb8;
	[tilespmem:$0x18100] =	vst v63  }
0x156: {  	s16 =	simm.s32 $0x14900  }
0x157: {  	[tilespmem:s16], [sflag:$0x2] =	stream.indirect_vreg.gather [hbm4b:s6+s3], $0x80, v3, vm0, $0xb8;
	[tilespmem:$0x18100] =	vst v63  }
0x158: {  	v3 =	vld [tilespmem:$0xB0];
	_ =	sdelay $0x4  }
0x159: {  	v63 =	vshrl.u32 v3, $0x3  }
0x15a: {  	v4 =	vmul.u32 $0x30, v63  }
0x15b: {  	v3 =	vand.u32 $0x7, v3  }
0x15c: {  	v3 =	vor.u32 v3, v4  }
0x15d: {  	v4 =	vperm.xlane v3, v0;
	_ =	sdelay $0x1  }
0x15e: {  	v4 =	vadd.s32 v1, v4;
	_ =	sdelay $0x3  }
0x15f: {  	s1 =	simm.s32 $0x15100;
	v3 =	vperm.xlane v3, v2  }
0x160: {  	[tilespmem:s1], [sflag:$0x2] =	stream.indirect_vreg.gather [hbm4b:s2+s3], $0x80, v4, vm0, $0xb8;
	[tilespmem:$0x18100] =	vst v63  }
0x161: {  	s15 =	simm.s32 $0x15900;
	v3 =	vadd.s32 v1, v3  }
0x162: {  	[tilespmem:s15], [sflag:$0x2] =	stream.indirect_vreg.gather [hbm4b:s5+s3], $0x80, v4, vm0, $0xb8;
	[tilespmem:$0x18100] =	vst v63  }
0x163: {  	s16 =	simm.s32 $0x16100  }
0x164: {  	[tilespmem:s16], [sflag:$0x2] =	stream.indirect_vreg.gather [hbm4b:s6+s3], $0x80, v4, vm0, $0xb8;
	[tilespmem:$0x18100] =	vst v63  }
0x165: {  	s1 =	simm.s32 $0x16900  }
0x166: {  	[tilespmem:s1], [sflag:$0x2] =	stream.indirect_vreg.gather [hbm4b:s2+s3], $0x80, v3, vm0, $0xb8;
	[tilespmem:$0x18100] =	vst v63  }
0x167: {  	s15 =	simm.s32 $0x17100  }
0x168: {  	[tilespmem:s15], [sflag:$0x2] =	stream.indirect_vreg.gather [hbm4b:s5+s3], $0x80, v3, vm0, $0xb8;
	[tilespmem:$0x18100] =	vst v63  }
0x169: {  	s16 =	simm.s32 $0x17900  }
0x16a: {  	[tilespmem:s16], [sflag:$0x2] =	stream.indirect_vreg.gather [hbm4b:s6+s3], $0x80, v3, vm0, $0xb8;
	[tilespmem:$0x18100] =	vst v63  }
0x16b: {  	_ =	swait.ge [sflag:s4], $0xC000  }
0x16c: {  	[sflag:s4] =	ssyncset.done $0x0  }
0x16d: {  	s1 =	simm.s32 $0x100;
	s0 =	rddreg [dreg:$0x9];
	[sflag:s4] =	ssyncadd.s32 $0xFFFF4000  }
0x16e: {  	[hbm4b:s0+s3] =	stream.linear.scatter [tilespmem:s1], [sflag:$0x3], $0xC000, $0x38;
	[tilespmem:$0x18100] =	vst v63  }
0x16f: {  	_ =	swait.ge [sflag:s13], $0xC000  }
0x170: {  	[sflag:s13] =	ssyncset.done $0x0  }
0x171: {  	s16 =	rddreg [dreg:$0xa];
	[sflag:s13] =	ssyncadd.s32 $0xFFFF4000  }
0x172: {  	[hbm4b:s16+s3] =	stream.linear.scatter [tilespmem:s11], [sflag:$0x4], $0xC000, $0x38;
	[tilespmem:$0x18100] =	vst v63  }
0x173: {  	p0 =	sne.s32 s7, $0x1;
	_ =	swait.ge [sflag:s12], $0xC000  }
.Ltmp0:
0x174: {  	[sflag:s12] =	ssyncset.done $0x0;
	(pc) =	sbr.rel @p0 .LBB2_1-.Ltmp0, $4  }
0x175: {  	[sflag:s12] =	ssyncadd.s32 $0xFFFF4000  }
0x176: {  	_ =	swait.ge [sflag:s14], $0xC000  }
0x177: {  	[sflag:s14] =	ssyncset.done $0x0  }
0x178: {  	s7 =	sadd.s32 $0xFFFFFFFF, s7;
	[sflag:s14] =	ssyncadd.s32 $0xFFFF4000  }
0x179: {  	_ =	sfence.sel $0x180000  }
0x17a: {  	[bflag:$0x0] =	sbarrier.arrive $0xFFFF  }
0x17b: {  	_ =	strace $0x90000047  }
0x17c: {  	s0 =	stileid.u32;
	[bflag:$0x2] =	sbarrier.arrive $0xFFFF  }
0x17d: {  	p0 =	sne.s32 s0, $0x0;
	s0 =	rddreg [dreg:$0x3]  }
0x17e: {  	s0 =	sadd.s32 @!p0 $0x100000, s0  }
0x17f: {  	[sflag:s0] =	ssyncadd.tile.s32 @!p0 $0x1;
	_ =	shalt  }
.Lfunc_end2:
_tile_overlayer_lowered:
.L_overlay_start_2:
0x180: {  	(tag) =	ssettag $0x2  }
0x181: {  	s0 =	rddreg [dreg:$0x0];
	s2 =	stileid.u32  }
0x182: {  	s1 =	rddreg [dreg:$0x1];
	p0 =	sne.s32 s2, $0x0  }
0x183: {  	s3 =	rddreg [dreg:$0x2];
	[bflag:$0x3] =	sbarrier.arrive $0xFFFF;
	s2 =	simm.s32 @!p0 $0x1C05  }
0x184: {  	[timem:s3], [sflag:s2] =	dma.local @!p0 [hbm:s0], s1  }
0x185: {  	s0 =	simm.s32 @!p0 $0x5  }
0x186: {  	_ =	swait.ge @!p0 [sflag:s0], s1  }
0x187: {  	s1 =	ssub.s32 @!p0 $0x0, s1;
	[sflag:s0] =	ssyncset.done @!p0 $0x0  }
0x188: {  	[sflag:s0] =	ssyncadd.s32 @!p0 s1  }
0x189: {  	[bflag:$0x3] =	sbarrier.arrive $0xFFFF  }
0x18a: {  	_ =	shalt  }

</sc_bundles>
